<compile_context>
chip_gen: v7x
topology: tpu7x:2x2x1
jax: 0.10.2.dev20260603
libtpu: 0.0.44.dev20260713+nightly
codegen_flags: <defaults>
</compile_context>

<pallas_src>
import functools

import jax
import jax.numpy as jnp
from jax import lax
from jax.experimental import pallas as pl
from jax.experimental.pallas import tpu as pltpu
from jax.experimental.pallas import tpu_sc as plsc

P_ = 768
K_ = 6
D_ = 300
B_ = 16
L_ = 512
T_ = 8192
DP_ = 320
PK_ = P_ * K_
G_ = 6
GW_ = 128
TRI_ = [0, 1, 3, 6, 10, 15]
PKC_ = 21 * GW_
NEG_INF = float("-inf")

CH_ = 128


def _prep_tables(local_embeddings, diags):
    diags3 = diags.reshape(P_, K_, D_)

    def body(x_ref, d_ref, t_ref, w_ref):
        x = x_ref[...]
        xp = jnp.concatenate(
            [x, jnp.zeros((DP_ - D_, 512), jnp.float32)], axis=0)
        t_ref[...] = xp.T.astype(jnp.bfloat16)

        @pl.when(pl.program_id(0) == 0)
        def _():
            ident = jnp.eye(GW_, dtype=jnp.bfloat16)
            zpad = jnp.zeros((GW_, DP_ - D_), jnp.float32)
            for g in range(G_):
                for j in range(g + 1):
                    y = d_ref[g * GW_:(g + 1) * GW_, j, :]
                    yp = jnp.concatenate([y, zpad], axis=1).astype(jnp.bfloat16)
                    t = lax.dot_general(yp, ident, (((0,), (0,)), ((), ())),
                                        preferred_element_type=jnp.float32
                                        ).astype(jnp.bfloat16)
                    s = TRI_[g] + j
                    w_ref[:, s * GW_:(s + 1) * GW_] = t

    return pl.pallas_call(
        body,
        grid=(T_ // 512,),
        in_specs=[
            pl.BlockSpec((D_, 512), lambda i: (0, i)),
            pl.BlockSpec((P_, K_, D_), lambda i: (0, 0, 0)),
        ],
        out_specs=[
            pl.BlockSpec((512, DP_), lambda i: (i, 0)),
            pl.BlockSpec((DP_, PKC_), lambda i: (0, 0)),
        ],
        out_shape=[
            jax.ShapeDtypeStruct((T_, DP_), jnp.bfloat16),
            jax.ShapeDtypeStruct((DP_, PKC_), jnp.bfloat16),
        ],
    )(local_embeddings, diags3)


def _make_sc_gather(n_tok, width):
    info = plsc.get_sparse_core_info()
    nw = info.num_cores * info.num_subcores
    per_w = n_tok // nw
    n_ch = per_w // CH_
    mesh = plsc.VectorSubcoreMesh(core_axis_name="c", subcore_axis_name="s")

    @functools.partial(
        pl.kernel,
        mesh=mesh,
        out_type=jax.ShapeDtypeStruct((n_tok, width), jnp.bfloat16),
        scratch_types=[
            pltpu.VMEM((n_ch, CH_), jnp.int32),
            pltpu.VMEM((per_w, width), jnp.bfloat16),
            pltpu.SemaphoreType.DMA,
        ],
        compiler_params=pltpu.CompilerParams(use_tc_tiling_on_sc=False),
    )
    def gather_k(table_hbm, idx_hbm, out_hbm, idx_v, rows_v, sem):
        wid = lax.axis_index("s") * info.num_cores + lax.axis_index("c")
        pltpu.sync_copy(idx_hbm.at[pl.ds(wid * n_ch, n_ch)], idx_v)
        copies = [
            pltpu.async_copy(
                table_hbm.at[idx_v.at[c]],
                rows_v.at[pl.ds(c * CH_, CH_)],
                sem,
            )
            for c in range(n_ch)
        ]
        for cp in copies:
            cp.wait()
        pltpu.sync_copy(rows_v, out_hbm.at[pl.ds(wid * per_w, per_w)])

    return gather_k


def _tc_body(dl_ref, g_ref, w_ref, wc_ref, wo_ref, lb_ref, out_ref):
    b = pl.program_id(0)
    emb = g_ref[0]
    dl = dl_ref[b]
    t = lax.broadcasted_iota(jnp.int32, (L_, GW_), 0)
    parts = []
    for g in range(G_):
        m = g + 1
        base = TRI_[g] * GW_
        tm_g = jnp.dot(emb, w_ref[:, base:base + m * GW_],
                       preferred_element_type=jnp.float32)
        acc = None
        for j in range(m):
            c0 = base + j * GW_
            ej = jnp.maximum(tm_g[:, j * GW_:(j + 1) * GW_]
                             + wc_ref[1:2, c0:c0 + GW_],
                             wc_ref[0:1, c0:c0 + GW_])
            if j == 0:
                acc = ej
            else:
                shifted = jnp.concatenate(
                    [ej[j:, :], jnp.full((j, GW_), NEG_INF, jnp.float32)],
                    axis=0)
                acc = acc + shifted
        acc = jnp.where(t <= dl - m, acc, NEG_INF)
        parts.append(jnp.max(acc, axis=0, keepdims=True))
    scores = jnp.concatenate(parts, axis=1)
    neg = scores == NEG_INF
    tmp = jnp.where(neg, jnp.inf, scores)
    row_min = jnp.min(tmp)
    sc = jnp.where(neg, row_min, tmp)
    mu = jnp.mean(sc)
    var = jnp.mean((sc - mu) * (sc - mu))
    nrm = (sc - mu) / jnp.sqrt(var + 1e-5)
    binar = (nrm > 0.0).astype(jnp.float32)
    res = (jnp.dot(binar, wo_ref[...], preferred_element_type=jnp.float32)
           + lb_ref[0:1, :])
    out_ref[...] = jnp.broadcast_to(res, (8, 128))[None]


def _run_tc(doc_lens, gathered3, wmat, wc_pad, wo_pad, lb_pad):
    grid_spec = pltpu.PrefetchScalarGridSpec(
        num_scalar_prefetch=1,
        grid=(B_,),
        in_specs=[
            pl.BlockSpec((1, L_, DP_), lambda b, dl: (b, 0, 0)),
            pl.BlockSpec((DP_, PKC_), lambda b, dl: (0, 0)),
            pl.BlockSpec((8, PKC_), lambda b, dl: (0, 0)),
            pl.BlockSpec((P_, 128), lambda b, dl: (0, 0)),
            pl.BlockSpec((8, 128), lambda b, dl: (0, 0)),
        ],
        out_specs=pl.BlockSpec((1, 8, 128), lambda b, dl: (b, 0, 0)),
    )
    return pl.pallas_call(
        _tc_body,
        grid_spec=grid_spec,
        out_shape=jax.ShapeDtypeStruct((B_, 8, 128), jnp.float32),
    )(doc_lens, gathered3, wmat, wc_pad, wo_pad, lb_pad)


def _prep_weights(bias, wildcards, linear_w, linear_b):
    f32 = jnp.float32
    bias2 = bias.reshape(P_, K_)
    bcols, wcols = [], []
    for g in range(G_):
        for j in range(g + 1):
            sl = slice(g * GW_, (g + 1) * GW_)
            bcols.append(bias2[sl, j])
            wcols.append(wildcards[sl, j])
    bk = jnp.concatenate(bcols).reshape(1, PKC_).astype(f32)
    wck = jnp.concatenate(wcols).reshape(1, PKC_).astype(f32)
    wc_pad = jnp.concatenate([wck, bk, jnp.zeros((6, PKC_), f32)], axis=0)
    wo_pad = jnp.zeros((P_, 128), f32).at[:, :2].set(linear_w.T.astype(f32))
    lb_pad = jnp.zeros((8, 128), f32).at[0, :2].set(linear_b.astype(f32))
    return wc_pad, wo_pad, lb_pad


def kernel(local_embeddings, docs, doc_lens, diags, bias, wildcards,
           linear_w, linear_b):
    table, wmat = _prep_tables(local_embeddings, diags)
    n_tok = B_ * L_
    docs_idx = docs.reshape(-1).astype(jnp.int32).reshape(n_tok // CH_, CH_)
    gathered = _make_sc_gather(n_tok, DP_)(table, docs_idx)
    wc_pad, wo_pad, lb_pad = _prep_weights(bias, wildcards, linear_w, linear_b)
    gathered3 = gathered.reshape(B_, L_, DP_)
    out = _run_tc(doc_lens.astype(jnp.int32), gathered3, wmat, wc_pad,
                  wo_pad, lb_pad)
    return out[:, 0, :2]

# --- scband reference (transcript-rebuilt; emitter-appended) ---
"""Pipeline reference for scband-soft-pattern-classifier-1649267442164 (READ-ONLY COPY).

The authoritative reference and input builder live on the scoring server;
editing this copy changes nothing except your own understanding.
"""

import jax, jax.numpy as jnp
import numpy as np

PATTERN_SPECS = [(2, 128), (3, 128), (4, 128), (5, 128), (6, 128), (7, 128)]
MAX_PATTERN_LEN = 7
P = sum(n for _, n in PATTERN_SPECS)  # 768 total patterns
K = MAX_PATTERN_LEN - 1               # 6 transitions per pattern
D = 300                               # embedding_dim
B = 16                                # batch size
L = 512                               # max_doc_len
T = 8192                              # number of local (unique) tokens
NUM_CLASSES = 2
END_IDX = np.array([pl - 1 for pl, n in PATTERN_SPECS for _ in range(n)], dtype=np.int32)


def setup_inputs(seed: int = 0):
    key = jax.random.key(seed)
    ks = jax.random.split(key, 8)
    local_embeddings = jax.random.normal(ks[0], (D, T), dtype=jnp.float32)
    docs = jax.random.randint(ks[1], (B, L), 0, T)
    doc_lens = jax.random.randint(ks[2], (B,), 1, L + 1)
    diags = jax.random.normal(ks[3], (P * K, D), dtype=jnp.float32) * np.sqrt(2.0 / (P * K + D))
    bias = jax.random.normal(ks[4], (P * K, 1), dtype=jnp.float32) * np.sqrt(2.0 / (P * K + 1))
    wildcards = jax.random.normal(ks[5], (P, K), dtype=jnp.float32) * np.sqrt(2.0 / (P + K))
    linear_w = jax.random.normal(ks[6], (NUM_CLASSES, P), dtype=jnp.float32) * np.sqrt(1.0 / P)
    linear_b = jnp.zeros((NUM_CLASSES,), dtype=jnp.float32)
    return {"local_embeddings": local_embeddings, "docs": docs, "doc_lens": doc_lens,
            "diags": diags, "bias": bias, "wildcards": wildcards,
            "linear_w": linear_w, "linear_b": linear_b}


def _forward(local_embeddings, diags, bias, wildcards, linear_w, linear_b, docs, doc_lens):
    # MaxSumSemiring: zero=-inf, one=0, plus=max, times=+, from_outer/from_semiring = identity
    end_idx = jnp.asarray(END_IDX)
    # get_transition_matrices: mm(diags, local_embeddings) + bias_scale * bias, transpose,
    # then per-doc index_select (equivalent to a row gather with the padded doc token ids)
    trans = (diags @ local_embeddings + 1.0 * bias).T  # [T, P*K]
    tm = jnp.take(trans, docs.reshape(-1), axis=0).reshape(B, L, P, K)
    wc = wildcards  # wildcard_scale = semiring.one = 0; times = add -> 0 + wildcards
    cdt = jnp.promote_types(tm.dtype, wc.dtype)
    hid0 = jnp.concatenate([jnp.zeros((B, P, 1), cdt),
                            jnp.full((B, P, K), -jnp.inf, cdt)], axis=2)
    sc0 = jnp.full((B, P), -jnp.inf, cdt)
    restart = jnp.zeros((B, P, 1), cdt)

    def step(carry, xs):
        hiddens, scores = carry
        tmt, t = xs
        main = jnp.concatenate([restart, hiddens[:, :, :-1] + tmt], axis=2)
        wild = jnp.concatenate([restart, hiddens[:, :, :-1] + wc[None, :, :]], axis=2)
        hiddens = jnp.maximum(main, wild)  # semiring.plus
        ev = jnp.take_along_axis(hiddens, jnp.broadcast_to(end_idx[None, :, None], (B, P, 1)), axis=2)[:, :, 0]
        active = (doc_lens > t)[:, None]
        scores = jnp.where(active, jnp.maximum(scores, ev), scores)
        return (hiddens, scores), None

    (_, scores), _ = jax.lax.scan(step, (hid0, sc0), (jnp.transpose(tm, (1, 0, 2, 3)), jnp.arange(L)))
    # replace never-matched (-inf) scores with the per-row minimum of finite scores
    mask = jnp.isneginf(scores)
    tmp = jnp.where(mask, jnp.inf, scores)
    row_min = jnp.min(tmp, axis=1, keepdims=True)
    scores = jnp.where(mask, row_min, tmp)
    # LayerNorm (no affine)
    mu = jnp.mean(scores, axis=1, keepdims=True)
    var = jnp.var(scores, axis=1, keepdims=True)
    scores = (scores - mu) / jnp.sqrt(var + 1e-5)
    # STE Heaviside binarizer (forward)
    scores = (scores > 0).astype(jnp.float32)
    return scores @ linear_w.T + linear_b


def reference(local_embeddings, docs, doc_lens, diags, bias, wildcards, linear_w, linear_b):
    return _forward(local_embeddings, diags, bias, wildcards, linear_w, linear_b, docs, doc_lens)

if __name__ == "__main__":
    import jax
    _d = setup_inputs()
    print(jax.jit(kernel)(*tuple(_d.values())))

</pallas_src>

<mosaic_0001>
#map = affine_map<(d0, d1) -> (0, 0)>
module attributes {stable_mosaic.version = 14 : i64} {
  func.func @gather_k(%arg0: i32, %arg1: i32, %arg2: memref<8192x320xbf16, #tpu.memory_space<hbm>>, %arg3: memref<64x128xi32, #tpu.memory_space<hbm>>, %arg4: memref<8192x320xbf16, #tpu.memory_space<hbm>>, %arg5: memref<2x128xi32, #tpu.memory_space<vmem>>, %arg6: memref<256x320xbf16, #tpu.memory_space<vmem>>, %arg7: memref<!tpu.dma_semaphore, #tpu.memory_space<semaphore_mem>>) attributes {dimension_semantics = [#tpu.dimension_semantics<core_parallel>, #tpu.dimension_semantics<subcore_parallel>], iteration_bounds = array<i64: 2, 16>, scalar_prefetch = 0 : i64, scratch_operands = 3 : i64, tpu.core_type = #tpu.core_type<sc_vector_subcore>, window_params = [{transform_indices = #map}, {transform_indices = #map}, {transform_indices = #map}]} {
    %mul3A = arith.constant 2 : i32
    %mul3A_0 = arith.muli %arg1, %mul3A : i32
    %add3A = arith.addi %mul3A_0, %arg0 : i32
    %mul3A_1 = arith.constant 2 : i32
    %mul3A_2 = arith.muli %add3A, %mul3A_1 : i32
    "tpu.region"() ({
      %run_scoped3A = tpu.sem_alloc : memref<!tpu.dma_semaphore, #tpu.memory_space<semaphore_mem>>
      %dma_start3A_43 = arith.constant 0 : i32
      %dma_start3A_44 = tpu.memref_slice %arg3[%mul3A_2, %dma_start3A_43] : memref<64x128xi32, #tpu.memory_space<hbm>> -> memref<2x128xi32, #tpu.memory_space<hbm>>
      %dma_start3A_45 = arith.constant 0 : i32
      %dma_start3A_46 = tpu.memref_slice %arg3[%mul3A_2, %dma_start3A_45] : memref<64x128xi32, #tpu.memory_space<hbm>> -> memref<2x128xi32, #tpu.memory_space<hbm>>
      tpu.enqueue_dma source(%dma_start3A_46 : memref<2x128xi32, #tpu.memory_space<hbm>>) target(%arg5 : memref<2x128xi32, #tpu.memory_space<vmem>>) target_semaphore(%run_scoped3A : memref<!tpu.dma_semaphore, #tpu.memory_space<semaphore_mem>>)
      %dma_wait3A_47 = arith.constant 0 : i32
      %dma_wait3A_48 = tpu.memref_slice %arg3[%mul3A_2, %dma_wait3A_47] : memref<64x128xi32, #tpu.memory_space<hbm>> -> memref<2x128xi32, #tpu.memory_space<hbm>>
      %dma_wait3A_49 = arith.constant 0 : i32
      %dma_wait3A_50 = tpu.memref_slice %arg3[%mul3A_2, %dma_wait3A_49] : memref<64x128xi32, #tpu.memory_space<hbm>> -> memref<2x128xi32, #tpu.memory_space<hbm>>
      tpu.wait_dma2 semaphore(%run_scoped3A : memref<!tpu.dma_semaphore, #tpu.memory_space<semaphore_mem>>) src(%dma_wait3A_50 : memref<2x128xi32, #tpu.memory_space<hbm>>) dst(%arg5 : memref<2x128xi32, #tpu.memory_space<vmem>>)
      tpu.yield
    }) : () -> ()
    %dma_start3A = arith.constant 0 : i32
    %dma_start3A_3 = arith.constant 0 : i32
    %dma_start3A_4 = arith.constant 0 : i32
    %dma_start3A_5 = tpu.memref_slice %arg6[%dma_start3A_3, %dma_start3A_4] : memref<256x320xbf16, #tpu.memory_space<vmem>> -> memref<128x320xbf16, #tpu.memory_space<vmem>>
    %dma_start3A_6 = arith.constant 0 : i32
    %dma_start3A_7 = tpu.memref_slice %arg5[%dma_start3A, %dma_start3A_6] : memref<2x128xi32, #tpu.memory_space<vmem>> -> memref<1x128xi32, #tpu.memory_space<vmem>>
    %dma_start3A_8 = tpu.memref_squeeze %dma_start3A_7 : memref<1x128xi32, #tpu.memory_space<vmem>> -> memref<128xi32, #tpu.memory_space<vmem>>
    %dma_start3A_9 = arith.constant 0 : i32
    %dma_start3A_10 = arith.constant 0 : i32
    %dma_start3A_11 = tpu.memref_slice %arg2[%dma_start3A_9, %dma_start3A_10] : memref<8192x320xbf16, #tpu.memory_space<hbm>> -> memref<8192x320xbf16, #tpu.memory_space<hbm>>
    tpu.enqueue_indirect_dma source(%dma_start3A_11 : memref<8192x320xbf16, #tpu.memory_space<hbm>>) target(%dma_start3A_5 : memref<128x320xbf16, #tpu.memory_space<vmem>>) offsets(%dma_start3A_8 : memref<128xi32, #tpu.memory_space<vmem>>) semaphore(%arg7 : memref<!tpu.dma_semaphore, #tpu.memory_space<semaphore_mem>>)
    %dma_start3A_12 = arith.constant 1 : i32
    %dma_start3A_13 = arith.constant 128 : i32
    %dma_start3A_14 = arith.constant 0 : i32
    %dma_start3A_15 = tpu.memref_slice %arg6[%dma_start3A_13, %dma_start3A_14] : memref<256x320xbf16, #tpu.memory_space<vmem>> -> memref<128x320xbf16, #tpu.memory_space<vmem>>
    %dma_start3A_16 = arith.constant 0 : i32
    %dma_start3A_17 = tpu.memref_slice %arg5[%dma_start3A_12, %dma_start3A_16] : memref<2x128xi32, #tpu.memory_space<vmem>> -> memref<1x128xi32, #tpu.memory_space<vmem>>
    %dma_start3A_18 = tpu.memref_squeeze %dma_start3A_17 : memref<1x128xi32, #tpu.memory_space<vmem>> -> memref<128xi32, #tpu.memory_space<vmem>>
    %dma_start3A_19 = arith.constant 0 : i32
    %dma_start3A_20 = arith.constant 0 : i32
    %dma_start3A_21 = tpu.memref_slice %arg2[%dma_start3A_19, %dma_start3A_20] : memref<8192x320xbf16, #tpu.memory_space<hbm>> -> memref<8192x320xbf16, #tpu.memory_space<hbm>>
    tpu.enqueue_indirect_dma source(%dma_start3A_21 : memref<8192x320xbf16, #tpu.memory_space<hbm>>) target(%dma_start3A_15 : memref<128x320xbf16, #tpu.memory_space<vmem>>) offsets(%dma_start3A_18 : memref<128xi32, #tpu.memory_space<vmem>>) semaphore(%arg7 : memref<!tpu.dma_semaphore, #tpu.memory_space<semaphore_mem>>)
    %dma_wait3A = arith.constant 0 : i32
    %dma_wait3A_22 = arith.constant 0 : i32
    %dma_wait3A_23 = arith.constant 0 : i32
    %dma_wait3A_24 = tpu.memref_slice %arg6[%dma_wait3A_22, %dma_wait3A_23] : memref<256x320xbf16, #tpu.memory_space<vmem>> -> memref<128x320xbf16, #tpu.memory_space<vmem>>
    %dma_wait3A_25 = arith.constant 0 : i32
    %dma_wait3A_26 = tpu.memref_slice %arg5[%dma_wait3A, %dma_wait3A_25] : memref<2x128xi32, #tpu.memory_space<vmem>> -> memref<1x128xi32, #tpu.memory_space<vmem>>
    %dma_wait3A_27 = tpu.memref_squeeze %dma_wait3A_26 : memref<1x128xi32, #tpu.memory_space<vmem>> -> memref<128xi32, #tpu.memory_space<vmem>>
    %dma_wait3A_28 = arith.constant 0 : i32
    %dma_wait3A_29 = arith.constant 0 : i32
    %dma_wait3A_30 = tpu.memref_slice %arg2[%dma_wait3A_28, %dma_wait3A_29] : memref<8192x320xbf16, #tpu.memory_space<hbm>> -> memref<8192x320xbf16, #tpu.memory_space<hbm>>
    tpu.wait_indirect_dma semaphore(%arg7 : memref<!tpu.dma_semaphore, #tpu.memory_space<semaphore_mem>>) src(%dma_wait3A_30 : memref<8192x320xbf16, #tpu.memory_space<hbm>>) dst(%dma_wait3A_24 : memref<128x320xbf16, #tpu.memory_space<vmem>>)
    %dma_wait3A_31 = arith.constant 1 : i32
    %dma_wait3A_32 = arith.constant 128 : i32
    %dma_wait3A_33 = arith.constant 0 : i32
    %dma_wait3A_34 = tpu.memref_slice %arg6[%dma_wait3A_32, %dma_wait3A_33] : memref<256x320xbf16, #tpu.memory_space<vmem>> -> memref<128x320xbf16, #tpu.memory_space<vmem>>
    %dma_wait3A_35 = arith.constant 0 : i32
    %dma_wait3A_36 = tpu.memref_slice %arg5[%dma_wait3A_31, %dma_wait3A_35] : memref<2x128xi32, #tpu.memory_space<vmem>> -> memref<1x128xi32, #tpu.memory_space<vmem>>
    %dma_wait3A_37 = tpu.memref_squeeze %dma_wait3A_36 : memref<1x128xi32, #tpu.memory_space<vmem>> -> memref<128xi32, #tpu.memory_space<vmem>>
    %dma_wait3A_38 = arith.constant 0 : i32
    %dma_wait3A_39 = arith.constant 0 : i32
    %dma_wait3A_40 = tpu.memref_slice %arg2[%dma_wait3A_38, %dma_wait3A_39] : memref<8192x320xbf16, #tpu.memory_space<hbm>> -> memref<8192x320xbf16, #tpu.memory_space<hbm>>
    tpu.wait_indirect_dma semaphore(%arg7 : memref<!tpu.dma_semaphore, #tpu.memory_space<semaphore_mem>>) src(%dma_wait3A_40 : memref<8192x320xbf16, #tpu.memory_space<hbm>>) dst(%dma_wait3A_34 : memref<128x320xbf16, #tpu.memory_space<vmem>>)
    %mul3A_41 = arith.constant 256 : i32
    %mul3A_42 = arith.muli %add3A, %mul3A_41 : i32
    "tpu.region"() ({
      %run_scoped3A = tpu.sem_alloc : memref<!tpu.dma_semaphore, #tpu.memory_space<semaphore_mem>>
      %dma_start3A_43 = arith.constant 0 : i32
      %dma_start3A_44 = tpu.memref_slice %arg4[%mul3A_42, %dma_start3A_43] : memref<8192x320xbf16, #tpu.memory_space<hbm>> -> memref<256x320xbf16, #tpu.memory_space<hbm>>
      %dma_start3A_45 = arith.constant 0 : i32
      %dma_start3A_46 = tpu.memref_slice %arg4[%mul3A_42, %dma_start3A_45] : memref<8192x320xbf16, #tpu.memory_space<hbm>> -> memref<256x320xbf16, #tpu.memory_space<hbm>>
      tpu.enqueue_dma source(%arg6 : memref<256x320xbf16, #tpu.memory_space<vmem>>) target(%dma_start3A_46 : memref<256x320xbf16, #tpu.memory_space<hbm>>) target_semaphore(%run_scoped3A : memref<!tpu.dma_semaphore, #tpu.memory_space<semaphore_mem>>)
      %dma_wait3A_47 = arith.constant 0 : i32
      %dma_wait3A_48 = tpu.memref_slice %arg4[%mul3A_42, %dma_wait3A_47] : memref<8192x320xbf16, #tpu.memory_space<hbm>> -> memref<256x320xbf16, #tpu.memory_space<hbm>>
      %dma_wait3A_49 = arith.constant 0 : i32
      %dma_wait3A_50 = tpu.memref_slice %arg4[%mul3A_42, %dma_wait3A_49] : memref<8192x320xbf16, #tpu.memory_space<hbm>> -> memref<256x320xbf16, #tpu.memory_space<hbm>>
      tpu.wait_dma2 semaphore(%run_scoped3A : memref<!tpu.dma_semaphore, #tpu.memory_space<semaphore_mem>>) src(%arg6 : memref<256x320xbf16, #tpu.memory_space<vmem>>) dst(%dma_wait3A_50 : memref<256x320xbf16, #tpu.memory_space<hbm>>)
      tpu.yield
    }) : () -> ()
    return
  }
}

module attributes {stable_mosaic.version = 14 : i64} {
  func.func @body(%arg0: i32, %arg1: memref<300x512xf32, #tpu.memory_space<vmem>>, %arg2: memref<768x6x300xf32, #tpu.memory_space<vmem>>, %arg3: memref<512x320xbf16, #tpu.memory_space<vmem>>, %arg4: memref<320x2688xbf16, #tpu.memory_space<vmem>>) attributes {dimension_semantics = [#tpu.dimension_semantics<arbitrary>], iteration_bounds = array<i64: 16>, scalar_prefetch = 0 : i64, scratch_operands = 0 : i64, tpu.core_type = #tpu.core_type<tc>, window_params = [{transform_indices = @transform_0, window_bounds = array<i64: 300, 512>}, {pipeline_mode = #tpu.pipeline_mode<synchronous>, transform_indices = @transform_1, window_bounds = array<i64: 768, 6, 300>}, {transform_indices = @transform_2, window_bounds = array<i64: 512, 320>}, {pipeline_mode = #tpu.pipeline_mode<synchronous>, transform_indices = @transform_3, window_bounds = array<i64: 320, 2688>}]} {
    %get3A = arith.constant 0 : index
    %get3A_0 = arith.constant 0 : index
    %get3A_1 = vector.load %arg1[%get3A, %get3A_0] : memref<300x512xf32, #tpu.memory_space<vmem>>, vector<300x512xf32>
    %broadcast_in_dim3A = arith.constant 0.000000e+00 : f32
    %broadcast_in_dim3A_2 = vector.broadcast %broadcast_in_dim3A : f32 to vector<20x512xf32>
    %concatenate3A = tpu.concatenate %get3A_1, %broadcast_in_dim3A_2 in 0 : vector<300x512xf32>, vector<20x512xf32> -> vector<320x512xf32>
    %transpose3A = tpu.transpose %concatenate3A, [1, 0] : vector<320x512xf32> -> vector<512x320xf32>
    %convert_element_type3A = arith.truncf %transpose3A : vector<512x320xf32> to vector<512x320xbf16>
    %swap3A = arith.constant 0 : index
    %swap3A_3 = arith.constant 0 : index
    %swap3A_4 = vector.load %arg3[%swap3A, %swap3A_3] : memref<512x320xbf16, #tpu.memory_space<vmem>>, vector<512x320xbf16>
    tpu.vector_store %arg3[%swap3A, %swap3A_3], %convert_element_type3A {strides = array<i32>} : memref<512x320xbf16, #tpu.memory_space<vmem>>, vector<512x320xbf16>,
    %eq3A = arith.constant 0 : i32
    %eq3A_5 = arith.cmpi eq, %arg0, %eq3A : i32
    %convert_element_type3A_6 = arith.extui %eq3A_5 : i1 to i32
    %cond3A = arith.constant 0 : i32
    %cond3A_7 = arith.cmpi ne, %convert_element_type3A_6, %cond3A : i32
    scf.if %cond3A_7 {
      %iota3A = tpu.iota {dimensions = array<i32: 0>} : vector<128x128xi32>
      %iota3A_8 = tpu.iota {dimensions = array<i32: 1>} : vector<128x128xi32>
      %add3A = arith.constant 0 : i32
      %add3A_9 = vector.broadcast %add3A : i32 to vector<128x128xi32>
      %add3A_10 = arith.addi %iota3A, %add3A_9 : vector<128x128xi32>
      %eq3A_11 = arith.cmpi eq, %add3A_10, %iota3A_8 : vector<128x128xi32>
      %convert_element_type3A_12 = arith.extui %eq3A_11 : vector<128x128xi1> to vector<128x128xi32>
      %convert_element_type3A_13 = arith.sitofp %convert_element_type3A_12 : vector<128x128xi32> to vector<128x128xf32>
      %convert_element_type3A_14 = arith.truncf %convert_element_type3A_13 : vector<128x128xf32> to vector<128x128xbf16>
      %broadcast_in_dim3A_15 = arith.constant 0.000000e+00 : f32
      %broadcast_in_dim3A_16 = vector.broadcast %broadcast_in_dim3A_15 : f32 to vector<128x20xf32>
      %get3A_17 = arith.constant 0 : index
      %get3A_18 = arith.constant 0 : index
      %get3A_19 = arith.constant 0 : index
      %get3A_20 = vector.load %arg2[%get3A_17, %get3A_18, %get3A_19] : memref<768x6x300xf32, #tpu.memory_space<vmem>>, vector<128x1x300xf32>
      %get3A_21 = vector.shape_cast %get3A_20 : vector<128x1x300xf32> to vector<128x300xf32>
      %concatenate3A_22 = tpu.concatenate %get3A_21, %broadcast_in_dim3A_16 in 1 : vector<128x300xf32>, vector<128x20xf32> -> vector<128x320xf32>
      %convert_element_type3A_23 = arith.truncf %concatenate3A_22 : vector<128x320xf32> to vector<128x320xbf16>
      %dot_general3A = arith.constant dense<0.000000e+00> : vector<320x128xf32>
      %dot_general3A_24 = tpu.matmul %convert_element_type3A_23, %convert_element_type3A_14, %dot_general3A {dimension_numbers = #tpu.dot_dimension_numbers<[0], [0], [1], [1], [0, 1, 1, 1], [], []>, transpose_lhs_hint = false} : vector<128x320xbf16>, vector<128x128xbf16>, vector<320x128xf32> -> vector<320x128xf32>
      %convert_element_type3A_25 = arith.truncf %dot_general3A_24 : vector<320x128xf32> to vector<320x128xbf16>
      %swap3A_26 = arith.constant 0 : index
      %swap3A_27 = arith.constant 0 : index
      %swap3A_28 = vector.load %arg4[%swap3A_26, %swap3A_27] : memref<320x2688xbf16, #tpu.memory_space<vmem>>, vector<320x128xbf16>
      tpu.vector_store %arg4[%swap3A_26, %swap3A_27], %convert_element_type3A_25 {strides = array<i32>} : memref<320x2688xbf16, #tpu.memory_space<vmem>>, vector<320x128xbf16>,
      %get3A_29 = arith.constant 128 : index
      %get3A_30 = arith.constant 0 : index
      %get3A_31 = arith.constant 0 : index
      %get3A_32 = vector.load %arg2[%get3A_29, %get3A_30, %get3A_31] : memref<768x6x300xf32, #tpu.memory_space<vmem>>, vector<128x1x300xf32>
      %get3A_33 = vector.shape_cast %get3A_32 : vector<128x1x300xf32> to vector<128x300xf32>
      %concatenate3A_34 = tpu.concatenate %get3A_33, %broadcast_in_dim3A_16 in 1 : vector<128x300xf32>, vector<128x20xf32> -> vector<128x320xf32>
      %convert_element_type3A_35 = arith.truncf %concatenate3A_34 : vector<128x320xf32> to vector<128x320xbf16>
      %dot_general3A_36 = arith.constant dense<0.000000e+00> : vector<320x128xf32>
      %dot_general3A_37 = tpu.matmul %convert_element_type3A_35, %convert_element_type3A_14, %dot_general3A_36 {dimension_numbers = #tpu.dot_dimension_numbers<[0], [0], [1], [1], [0, 1, 1, 1], [], []>, transpose_lhs_hint = false} : vector<128x320xbf16>, vector<128x128xbf16>, vector<320x128xf32> -> vector<320x128xf32>
      %convert_element_type3A_38 = arith.truncf %dot_general3A_37 : vector<320x128xf32> to vector<320x128xbf16>
      %swap3A_39 = arith.constant 0 : index
      %swap3A_40 = arith.constant 128 : index
      %swap3A_41 = vector.load %arg4[%swap3A_39, %swap3A_40] : memref<320x2688xbf16, #tpu.memory_space<vmem>>, vector<320x128xbf16>
      tpu.vector_store %arg4[%swap3A_39, %swap3A_40], %convert_element_type3A_38 {strides = array<i32>} : memref<320x2688xbf16, #tpu.memory_space<vmem>>, vector<320x128xbf16>,
      %get3A_42 = arith.constant 128 : index
      %get3A_43 = arith.constant 1 : index
      %get3A_44 = arith.constant 0 : index
      %get3A_45 = vector.load %arg2[%get3A_42, %get3A_43, %get3A_44] : memref<768x6x300xf32, #tpu.memory_space<vmem>>, vector<128x1x300xf32>
      %get3A_46 = vector.shape_cast %get3A_45 : vector<128x1x300xf32> to vector<128x300xf32>
      %concatenate3A_47 = tpu.concatenate %get3A_46, %broadcast_in_dim3A_16 in 1 : vector<128x300xf32>, vector<128x20xf32> -> vector<128x320xf32>
      %convert_element_type3A_48 = arith.truncf %concatenate3A_47 : vector<128x320xf32> to vector<128x320xbf16>
      %dot_general3A_49 = arith.constant dense<0.000000e+00> : vector<320x128xf32>
      %dot_general3A_50 = tpu.matmul %convert_element_type3A_48, %convert_element_type3A_14, %dot_general3A_49 {dimension_numbers = #tpu.dot_dimension_numbers<[0], [0], [1], [1], [0, 1, 1, 1], [], []>, transpose_lhs_hint = false} : vector<128x320xbf16>, vector<128x128xbf16>, vector<320x128xf32> -> vector<320x128xf32>
      %convert_element_type3A_51 = arith.truncf %dot_general3A_50 : vector<320x128xf32> to vector<320x128xbf16>
      %swap3A_52 = arith.constant 0 : index
      %swap3A_53 = arith.constant 256 : index
      %swap3A_54 = vector.load %arg4[%swap3A_52, %swap3A_53] : memref<320x2688xbf16, #tpu.memory_space<vmem>>, vector<320x128xbf16>
      tpu.vector_store %arg4[%swap3A_52, %swap3A_53], %convert_element_type3A_51 {strides = array<i32>} : memref<320x2688xbf16, #tpu.memory_space<vmem>>, vector<320x128xbf16>,
      %get3A_55 = arith.constant 256 : index
      %get3A_56 = arith.constant 0 : index
      %get3A_57 = arith.constant 0 : index
      %get3A_58 = vector.load %arg2[%get3A_55, %get3A_56, %get3A_57] : memref<768x6x300xf32, #tpu.memory_space<vmem>>, vector<128x1x300xf32>
      %get3A_59 = vector.shape_cast %get3A_58 : vector<128x1x300xf32> to vector<128x300xf32>
      %concatenate3A_60 = tpu.concatenate %get3A_59, %broadcast_in_dim3A_16 in 1 : vector<128x300xf32>, vector<128x20xf32> -> vector<128x320xf32>
      %convert_element_type3A_61 = arith.truncf %concatenate3A_60 : vector<128x320xf32> to vector<128x320xbf16>
      %dot_general3A_62 = arith.constant dense<0.000000e+00> : vector<320x128xf32>
      %dot_general3A_63 = tpu.matmul %convert_element_type3A_61, %convert_element_type3A_14, %dot_general3A_62 {dimension_numbers = #tpu.dot_dimension_numbers<[0], [0], [1], [1], [0, 1, 1, 1], [], []>, transpose_lhs_hint = false} : vector<128x320xbf16>, vector<128x128xbf16>, vector<320x128xf32> -> vector<320x128xf32>
      %convert_element_type3A_64 = arith.truncf %dot_general3A_63 : vector<320x128xf32> to vector<320x128xbf16>
      %swap3A_65 = arith.constant 0 : index
      %swap3A_66 = arith.constant 384 : index
      %swap3A_67 = vector.load %arg4[%swap3A_65, %swap3A_66] : memref<320x2688xbf16, #tpu.memory_space<vmem>>, vector<320x128xbf16>
      tpu.vector_store %arg4[%swap3A_65, %swap3A_66], %convert_element_type3A_64 {strides = array<i32>} : memref<320x2688xbf16, #tpu.memory_space<vmem>>, vector<320x128xbf16>,
      %get3A_68 = arith.constant 256 : index
      %get3A_69 = arith.constant 1 : index
      %get3A_70 = arith.constant 0 : index
      %get3A_71 = vector.load %arg2[%get3A_68, %get3A_69, %get3A_70] : memref<768x6x300xf32, #tpu.memory_space<vmem>>, vector<128x1x300xf32>
      %get3A_72 = vector.shape_cast %get3A_71 : vector<128x1x300xf32> to vector<128x300xf32>
      %concatenate3A_73 = tpu.concatenate %get3A_72, %broadcast_in_dim3A_16 in 1 : vector<128x300xf32>, vector<128x20xf32> -> vector<128x320xf32>
      %convert_element_type3A_74 = arith.truncf %concatenate3A_73 : vector<128x320xf32> to vector<128x320xbf16>
      %dot_general3A_75 = arith.constant dense<0.000000e+00> : vector<320x128xf32>
      %dot_general3A_76 = tpu.matmul %convert_element_type3A_74, %convert_element_type3A_14, %dot_general3A_75 {dimension_numbers = #tpu.dot_dimension_numbers<[0], [0], [1], [1], [0, 1, 1, 1], [], []>, transpose_lhs_hint = false} : vector<128x320xbf16>, vector<128x128xbf16>, vector<320x128xf32> -> vector<320x128xf32>
      %convert_element_type3A_77 = arith.truncf %dot_general3A_76 : vector<320x128xf32> to vector<320x128xbf16>
      %swap3A_78 = arith.constant 0 : index
      %swap3A_79 = arith.constant 512 : index
      %swap3A_80 = vector.load %arg4[%swap3A_78, %swap3A_79] : memref<320x2688xbf16, #tpu.memory_space<vmem>>, vector<320x128xbf16>
      tpu.vector_store %arg4[%swap3A_78, %swap3A_79], %convert_element_type3A_77 {strides = array<i32>} : memref<320x2688xbf16, #tpu.memory_space<vmem>>, vector<320x128xbf16>,
      %get3A_81 = arith.constant 256 : index
      %get3A_82 = arith.constant 2 : index
      %get3A_83 = arith.constant 0 : index
      %get3A_84 = vector.load %arg2[%get3A_81, %get3A_82, %get3A_83] : memref<768x6x300xf32, #tpu.memory_space<vmem>>, vector<128x1x300xf32>
      %get3A_85 = vector.shape_cast %get3A_84 : vector<128x1x300xf32> to vector<128x300xf32>
      %concatenate3A_86 = tpu.concatenate %get3A_85, %broadcast_in_dim3A_16 in 1 : vector<128x300xf32>, vector<128x20xf32> -> vector<128x320xf32>
      %convert_element_type3A_87 = arith.truncf %concatenate3A_86 : vector<128x320xf32> to vector<128x320xbf16>
      %dot_general3A_88 = arith.constant dense<0.000000e+00> : vector<320x128xf32>
      %dot_general3A_89 = tpu.matmul %convert_element_type3A_87, %convert_element_type3A_14, %dot_general3A_88 {dimension_numbers = #tpu.dot_dimension_numbers<[0], [0], [1], [1], [0, 1, 1, 1], [], []>, transpose_lhs_hint = false} : vector<128x320xbf16>, vector<128x128xbf16>, vector<320x128xf32> -> vector<320x128xf32>
      %convert_element_type3A_90 = arith.truncf %dot_general3A_89 : vector<320x128xf32> to vector<320x128xbf16>
      %swap3A_91 = arith.constant 0 : index
      %swap3A_92 = arith.constant 640 : index
      %swap3A_93 = vector.load %arg4[%swap3A_91, %swap3A_92] : memref<320x2688xbf16, #tpu.memory_space<vmem>>, vector<320x128xbf16>
      tpu.vector_store %arg4[%swap3A_91, %swap3A_92], %convert_element_type3A_90 {strides = array<i32>} : memref<320x2688xbf16, #tpu.memory_space<vmem>>, vector<320x128xbf16>,
      %get3A_94 = arith.constant 384 : index
      %get3A_95 = arith.constant 0 : index
      %get3A_96 = arith.constant 0 : index
      %get3A_97 = vector.load %arg2[%get3A_94, %get3A_95, %get3A_96] : memref<768x6x300xf32, #tpu.memory_space<vmem>>, vector<128x1x300xf32>
      %get3A_98 = vector.shape_cast %get3A_97 : vector<128x1x300xf32> to vector<128x300xf32>
      %concatenate3A_99 = tpu.concatenate %get3A_98, %broadcast_in_dim3A_16 in 1 : vector<128x300xf32>, vector<128x20xf32> -> vector<128x320xf32>
      %convert_element_type3A_100 = arith.truncf %concatenate3A_99 : vector<128x320xf32> to vector<128x320xbf16>
      %dot_general3A_101 = arith.constant dense<0.000000e+00> : vector<320x128xf32>
      %dot_general3A_102 = tpu.matmul %convert_element_type3A_100, %convert_element_type3A_14, %dot_general3A_101 {dimension_numbers = #tpu.dot_dimension_numbers<[0], [0], [1], [1], [0, 1, 1, 1], [], []>, transpose_lhs_hint = false} : vector<128x320xbf16>, vector<128x128xbf16>, vector<320x128xf32> -> vector<320x128xf32>
      %convert_element_type3A_103 = arith.truncf %dot_general3A_102 : vector<320x128xf32> to vector<320x128xbf16>
      %swap3A_104 = arith.constant 0 : index
      %swap3A_105 = arith.constant 768 : index
      %swap3A_106 = vector.load %arg4[%swap3A_104, %swap3A_105] : memref<320x2688xbf16, #tpu.memory_space<vmem>>, vector<320x128xbf16>
      tpu.vector_store %arg4[%swap3A_104, %swap3A_105], %convert_element_type3A_103 {strides = array<i32>} : memref<320x2688xbf16, #tpu.memory_space<vmem>>, vector<320x128xbf16>,
      %get3A_107 = arith.constant 384 : index
      %get3A_108 = arith.constant 1 : index
      %get3A_109 = arith.constant 0 : index
      %get3A_110 = vector.load %arg2[%get3A_107, %get3A_108, %get3A_109] : memref<768x6x300xf32, #tpu.memory_space<vmem>>, vector<128x1x300xf32>
      %get3A_111 = vector.shape_cast %get3A_110 : vector<128x1x300xf32> to vector<128x300xf32>
      %concatenate3A_112 = tpu.concatenate %get3A_111, %broadcast_in_dim3A_16 in 1 : vector<128x300xf32>, vector<128x20xf32> -> vector<128x320xf32>
      %convert_element_type3A_113 = arith.truncf %concatenate3A_112 : vector<128x320xf32> to vector<128x320xbf16>
      %dot_general3A_114 = arith.constant dense<0.000000e+00> : vector<320x128xf32>
      %dot_general3A_115 = tpu.matmul %convert_element_type3A_113, %convert_element_type3A_14, %dot_general3A_114 {dimension_numbers = #tpu.dot_dimension_numbers<[0], [0], [1], [1], [0, 1, 1, 1], [], []>, transpose_lhs_hint = false} : vector<128x320xbf16>, vector<128x128xbf16>, vector<320x128xf32> -> vector<320x128xf32>
      %convert_element_type3A_116 = arith.truncf %dot_general3A_115 : vector<320x128xf32> to vector<320x128xbf16>
      %swap3A_117 = arith.constant 0 : index
      %swap3A_118 = arith.constant 896 : index
      %swap3A_119 = vector.load %arg4[%swap3A_117, %swap3A_118] : memref<320x2688xbf16, #tpu.memory_space<vmem>>, vector<320x128xbf16>
      tpu.vector_store %arg4[%swap3A_117, %swap3A_118], %convert_element_type3A_116 {strides = array<i32>} : memref<320x2688xbf16, #tpu.memory_space<vmem>>, vector<320x128xbf16>,
      %get3A_120 = arith.constant 384 : index
      %get3A_121 = arith.constant 2 : index
      %get3A_122 = arith.constant 0 : index
      %get3A_123 = vector.load %arg2[%get3A_120, %get3A_121, %get3A_122] : memref<768x6x300xf32, #tpu.memory_space<vmem>>, vector<128x1x300xf32>
      %get3A_124 = vector.shape_cast %get3A_123 : vector<128x1x300xf32> to vector<128x300xf32>
      %concatenate3A_125 = tpu.concatenate %get3A_124, %broadcast_in_dim3A_16 in 1 : vector<128x300xf32>, vector<128x20xf32> -> vector<128x320xf32>
      %convert_element_type3A_126 = arith.truncf %concatenate3A_125 : vector<128x320xf32> to vector<128x320xbf16>
      %dot_general3A_127 = arith.constant dense<0.000000e+00> : vector<320x128xf32>
      %dot_general3A_128 = tpu.matmul %convert_element_type3A_126, %convert_element_type3A_14, %dot_general3A_127 {dimension_numbers = #tpu.dot_dimension_numbers<[0], [0], [1], [1], [0, 1, 1, 1], [], []>, transpose_lhs_hint = false} : vector<128x320xbf16>, vector<128x128xbf16>, vector<320x128xf32> -> vector<320x128xf32>
      %convert_element_type3A_129 = arith.truncf %dot_general3A_128 : vector<320x128xf32> to vector<320x128xbf16>
      %swap3A_130 = arith.constant 0 : index
      %swap3A_131 = arith.constant 1024 : index
      %swap3A_132 = vector.load %arg4[%swap3A_130, %swap3A_131] : memref<320x2688xbf16, #tpu.memory_space<vmem>>, vector<320x128xbf16>
      tpu.vector_store %arg4[%swap3A_130, %swap3A_131], %convert_element_type3A_129 {strides = array<i32>} : memref<320x2688xbf16, #tpu.memory_space<vmem>>, vector<320x128xbf16>,
      %get3A_133 = arith.constant 384 : index
      %get3A_134 = arith.constant 3 : index
      %get3A_135 = arith.constant 0 : index
      %get3A_136 = vector.load %arg2[%get3A_133, %get3A_134, %get3A_135] : memref<768x6x300xf32, #tpu.memory_space<vmem>>, vector<128x1x300xf32>
      %get3A_137 = vector.shape_cast %get3A_136 : vector<128x1x300xf32> to vector<128x300xf32>
      %concatenate3A_138 = tpu.concatenate %get3A_137, %broadcast_in_dim3A_16 in 1 : vector<128x300xf32>, vector<128x20xf32> -> vector<128x320xf32>
      %convert_element_type3A_139 = arith.truncf %concatenate3A_138 : vector<128x320xf32> to vector<128x320xbf16>
      %dot_general3A_140 = arith.constant dense<0.000000e+00> : vector<320x128xf32>
      %dot_general3A_141 = tpu.matmul %convert_element_type3A_139, %convert_element_type3A_14, %dot_general3A_140 {dimension_numbers = #tpu.dot_dimension_numbers<[0], [0], [1], [1], [0, 1, 1, 1], [], []>, transpose_lhs_hint = false} : vector<128x320xbf16>, vector<128x128xbf16>, vector<320x128xf32> -> vector<320x128xf32>
      %convert_element_type3A_142 = arith.truncf %dot_general3A_141 : vector<320x128xf32> to vector<320x128xbf16>
      %swap3A_143 = arith.constant 0 : index
      %swap3A_144 = arith.constant 1152 : index
      %swap3A_145 = vector.load %arg4[%swap3A_143, %swap3A_144] : memref<320x2688xbf16, #tpu.memory_space<vmem>>, vector<320x128xbf16>
      tpu.vector_store %arg4[%swap3A_143, %swap3A_144], %convert_element_type3A_142 {strides = array<i32>} : memref<320x2688xbf16, #tpu.memory_space<vmem>>, vector<320x128xbf16>,
      %get3A_146 = arith.constant 512 : index
      %get3A_147 = arith.constant 0 : index
      %get3A_148 = arith.constant 0 : index
      %get3A_149 = vector.load %arg2[%get3A_146, %get3A_147, %get3A_148] : memref<768x6x300xf32, #tpu.memory_space<vmem>>, vector<128x1x300xf32>
      %get3A_150 = vector.shape_cast %get3A_149 : vector<128x1x300xf32> to vector<128x300xf32>
      %concatenate3A_151 = tpu.concatenate %get3A_150, %broadcast_in_dim3A_16 in 1 : vector<128x300xf32>, vector<128x20xf32> -> vector<128x320xf32>
      %convert_element_type3A_152 = arith.truncf %concatenate3A_151 : vector<128x320xf32> to vector<128x320xbf16>
      %dot_general3A_153 = arith.constant dense<0.000000e+00> : vector<320x128xf32>
      %dot_general3A_154 = tpu.matmul %convert_element_type3A_152, %convert_element_type3A_14, %dot_general3A_153 {dimension_numbers = #tpu.dot_dimension_numbers<[0], [0], [1], [1], [0, 1, 1, 1], [], []>, transpose_lhs_hint = false} : vector<128x320xbf16>, vector<128x128xbf16>, vector<320x128xf32> -> vector<320x128xf32>
      %convert_element_type3A_155 = arith.truncf %dot_general3A_154 : vector<320x128xf32> to vector<320x128xbf16>
      %swap3A_156 = arith.constant 0 : index
      %swap3A_157 = arith.constant 1280 : index
      %swap3A_158 = vector.load %arg4[%swap3A_156, %swap3A_157] : memref<320x2688xbf16, #tpu.memory_space<vmem>>, vector<320x128xbf16>
      tpu.vector_store %arg4[%swap3A_156, %swap3A_157], %convert_element_type3A_155 {strides = array<i32>} : memref<320x2688xbf16, #tpu.memory_space<vmem>>, vector<320x128xbf16>,
      %get3A_159 = arith.constant 512 : index
      %get3A_160 = arith.constant 1 : index
      %get3A_161 = arith.constant 0 : index
      %get3A_162 = vector.load %arg2[%get3A_159, %get3A_160, %get3A_161] : memref<768x6x300xf32, #tpu.memory_space<vmem>>, vector<128x1x300xf32>
      %get3A_163 = vector.shape_cast %get3A_162 : vector<128x1x300xf32> to vector<128x300xf32>
      %concatenate3A_164 = tpu.concatenate %get3A_163, %broadcast_in_dim3A_16 in 1 : vector<128x300xf32>, vector<128x20xf32> -> vector<128x320xf32>
      %convert_element_type3A_165 = arith.truncf %concatenate3A_164 : vector<128x320xf32> to vector<128x320xbf16>
      %dot_general3A_166 = arith.constant dense<0.000000e+00> : vector<320x128xf32>
      %dot_general3A_167 = tpu.matmul %convert_element_type3A_165, %convert_element_type3A_14, %dot_general3A_166 {dimension_numbers = #tpu.dot_dimension_numbers<[0], [0], [1], [1], [0, 1, 1, 1], [], []>, transpose_lhs_hint = false} : vector<128x320xbf16>, vector<128x128xbf16>, vector<320x128xf32> -> vector<320x128xf32>
      %convert_element_type3A_168 = arith.truncf %dot_general3A_167 : vector<320x128xf32> to vector<320x128xbf16>
      %swap3A_169 = arith.constant 0 : index
      %swap3A_170 = arith.constant 1408 : index
      %swap3A_171 = vector.load %arg4[%swap3A_169, %swap3A_170] : memref<320x2688xbf16, #tpu.memory_space<vmem>>, vector<320x128xbf16>
      tpu.vector_store %arg4[%swap3A_169, %swap3A_170], %convert_element_type3A_168 {strides = array<i32>} : memref<320x2688xbf16, #tpu.memory_space<vmem>>, vector<320x128xbf16>,
      %get3A_172 = arith.constant 512 : index
      %get3A_173 = arith.constant 2 : index
      %get3A_174 = arith.constant 0 : index
      %get3A_175 = vector.load %arg2[%get3A_172, %get3A_173, %get3A_174] : memref<768x6x300xf32, #tpu.memory_space<vmem>>, vector<128x1x300xf32>
      %get3A_176 = vector.shape_cast %get3A_175 : vector<128x1x300xf32> to vector<128x300xf32>
      %concatenate3A_177 = tpu.concatenate %get3A_176, %broadcast_in_dim3A_16 in 1 : vector<128x300xf32>, vector<128x20xf32> -> vector<128x320xf32>
      %convert_element_type3A_178 = arith.truncf %concatenate3A_177 : vector<128x320xf32> to vector<128x320xbf16>
      %dot_general3A_179 = arith.constant dense<0.000000e+00> : vector<320x128xf32>
      %dot_general3A_180 = tpu.matmul %convert_element_type3A_178, %convert_element_type3A_14, %dot_general3A_179 {dimension_numbers = #tpu.dot_dimension_numbers<[0], [0], [1], [1], [0, 1, 1, 1], [], []>, transpose_lhs_hint = false} : vector<128x320xbf16>, vector<128x128xbf16>, vector<320x128xf32> -> vector<320x128xf32>
      %convert_element_type3A_181 = arith.truncf %dot_general3A_180 : vector<320x128xf32> to vector<320x128xbf16>
      %swap3A_182 = arith.constant 0 : index
      %swap3A_183 = arith.constant 1536 : index
      %swap3A_184 = vector.load %arg4[%swap3A_182, %swap3A_183] : memref<320x2688xbf16, #tpu.memory_space<vmem>>, vector<320x128xbf16>
      tpu.vector_store %arg4[%swap3A_182, %swap3A_183], %convert_element_type3A_181 {strides = array<i32>} : memref<320x2688xbf16, #tpu.memory_space<vmem>>, vector<320x128xbf16>,
      %get3A_185 = arith.constant 512 : index
      %get3A_186 = arith.constant 3 : index
      %get3A_187 = arith.constant 0 : index
      %get3A_188 = vector.load %arg2[%get3A_185, %get3A_186, %get3A_187] : memref<768x6x300xf32, #tpu.memory_space<vmem>>, vector<128x1x300xf32>
      %get3A_189 = vector.shape_cast %get3A_188 : vector<128x1x300xf32> to vector<128x300xf32>
      %concatenate3A_190 = tpu.concatenate %get3A_189, %broadcast_in_dim3A_16 in 1 : vector<128x300xf32>, vector<128x20xf32> -> vector<128x320xf32>
      %convert_element_type3A_191 = arith.truncf %concatenate3A_190 : vector<128x320xf32> to vector<128x320xbf16>
      %dot_general3A_192 = arith.constant dense<0.000000e+00> : vector<320x128xf32>
      %dot_general3A_193 = tpu.matmul %convert_element_type3A_191, %convert_element_type3A_14, %dot_general3A_192 {dimension_numbers = #tpu.dot_dimension_numbers<[0], [0], [1], [1], [0, 1, 1, 1], [], []>, transpose_lhs_hint = false} : vector<128x320xbf16>, vector<128x128xbf16>, vector<320x128xf32> -> vector<320x128xf32>
      %convert_element_type3A_194 = arith.truncf %dot_general3A_193 : vector<320x128xf32> to vector<320x128xbf16>
      %swap3A_195 = arith.constant 0 : index
      %swap3A_196 = arith.constant 1664 : index
      %swap3A_197 = vector.load %arg4[%swap3A_195, %swap3A_196] : memref<320x2688xbf16, #tpu.memory_space<vmem>>, vector<320x128xbf16>
      tpu.vector_store %arg4[%swap3A_195, %swap3A_196], %convert_element_type3A_194 {strides = array<i32>} : memref<320x2688xbf16, #tpu.memory_space<vmem>>, vector<320x128xbf16>,
      %get3A_198 = arith.constant 512 : index
      %get3A_199 = arith.constant 4 : index
      %get3A_200 = arith.constant 0 : index
      %get3A_201 = vector.load %arg2[%get3A_198, %get3A_199, %get3A_200] : memref<768x6x300xf32, #tpu.memory_space<vmem>>, vector<128x1x300xf32>
      %get3A_202 = vector.shape_cast %get3A_201 : vector<128x1x300xf32> to vector<128x300xf32>
      %concatenate3A_203 = tpu.concatenate %get3A_202, %broadcast_in_dim3A_16 in 1 : vector<128x300xf32>, vector<128x20xf32> -> vector<128x320xf32>
      %convert_element_type3A_204 = arith.truncf %concatenate3A_203 : vector<128x320xf32> to vector<128x320xbf16>
      %dot_general3A_205 = arith.constant dense<0.000000e+00> : vector<320x128xf32>
      %dot_general3A_206 = tpu.matmul %convert_element_type3A_204, %convert_element_type3A_14, %dot_general3A_205 {dimension_numbers = #tpu.dot_dimension_numbers<[0], [0], [1], [1], [0, 1, 1, 1], [], []>, transpose_lhs_hint = false} : vector<128x320xbf16>, vector<128x128xbf16>, vector<320x128xf32> -> vector<320x128xf32>
      %convert_element_type3A_207 = arith.truncf %dot_general3A_206 : vector<320x128xf32> to vector<320x128xbf16>
      %swap3A_208 = arith.constant 0 : index
      %swap3A_209 = arith.constant 1792 : index
      %swap3A_210 = vector.load %arg4[%swap3A_208, %swap3A_209] : memref<320x2688xbf16, #tpu.memory_space<vmem>>, vector<320x128xbf16>
      tpu.vector_store %arg4[%swap3A_208, %swap3A_209], %convert_element_type3A_207 {strides = array<i32>} : memref<320x2688xbf16, #tpu.memory_space<vmem>>, vector<320x128xbf16>,
      %get3A_211 = arith.constant 640 : index
      %get3A_212 = arith.constant 0 : index
      %get3A_213 = arith.constant 0 : index
      %get3A_214 = vector.load %arg2[%get3A_211, %get3A_212, %get3A_213] : memref<768x6x300xf32, #tpu.memory_space<vmem>>, vector<128x1x300xf32>
      %get3A_215 = vector.shape_cast %get3A_214 : vector<128x1x300xf32> to vector<128x300xf32>
      %concatenate3A_216 = tpu.concatenate %get3A_215, %broadcast_in_dim3A_16 in 1 : vector<128x300xf32>, vector<128x20xf32> -> vector<128x320xf32>
      %convert_element_type3A_217 = arith.truncf %concatenate3A_216 : vector<128x320xf32> to vector<128x320xbf16>
      %dot_general3A_218 = arith.constant dense<0.000000e+00> : vector<320x128xf32>
      %dot_general3A_219 = tpu.matmul %convert_element_type3A_217, %convert_element_type3A_14, %dot_general3A_218 {dimension_numbers = #tpu.dot_dimension_numbers<[0], [0], [1], [1], [0, 1, 1, 1], [], []>, transpose_lhs_hint = false} : vector<128x320xbf16>, vector<128x128xbf16>, vector<320x128xf32> -> vector<320x128xf32>
      %convert_element_type3A_220 = arith.truncf %dot_general3A_219 : vector<320x128xf32> to vector<320x128xbf16>
      %swap3A_221 = arith.constant 0 : index
      %swap3A_222 = arith.constant 1920 : index
      %swap3A_223 = vector.load %arg4[%swap3A_221, %swap3A_222] : memref<320x2688xbf16, #tpu.memory_space<vmem>>, vector<320x128xbf16>
      tpu.vector_store %arg4[%swap3A_221, %swap3A_222], %convert_element_type3A_220 {strides = array<i32>} : memref<320x2688xbf16, #tpu.memory_space<vmem>>, vector<320x128xbf16>,
      %get3A_224 = arith.constant 640 : index
      %get3A_225 = arith.constant 1 : index
      %get3A_226 = arith.constant 0 : index
      %get3A_227 = vector.load %arg2[%get3A_224, %get3A_225, %get3A_226] : memref<768x6x300xf32, #tpu.memory_space<vmem>>, vector<128x1x300xf32>
      %get3A_228 = vector.shape_cast %get3A_227 : vector<128x1x300xf32> to vector<128x300xf32>
      %concatenate3A_229 = tpu.concatenate %get3A_228, %broadcast_in_dim3A_16 in 1 : vector<128x300xf32>, vector<128x20xf32> -> vector<128x320xf32>
      %convert_element_type3A_230 = arith.truncf %concatenate3A_229 : vector<128x320xf32> to vector<128x320xbf16>
      %dot_general3A_231 = arith.constant dense<0.000000e+00> : vector<320x128xf32>
      %dot_general3A_232 = tpu.matmul %convert_element_type3A_230, %convert_element_type3A_14, %dot_general3A_231 {dimension_numbers = #tpu.dot_dimension_numbers<[0], [0], [1], [1], [0, 1, 1, 1], [], []>, transpose_lhs_hint = false} : vector<128x320xbf16>, vector<128x128xbf16>, vector<320x128xf32> -> vector<320x128xf32>
      %convert_element_type3A_233 = arith.truncf %dot_general3A_232 : vector<320x128xf32> to vector<320x128xbf16>
      %swap3A_234 = arith.constant 0 : index
      %swap3A_235 = arith.constant 2048 : index
      %swap3A_236 = vector.load %arg4[%swap3A_234, %swap3A_235] : memref<320x2688xbf16, #tpu.memory_space<vmem>>, vector<320x128xbf16>
      tpu.vector_store %arg4[%swap3A_234, %swap3A_235], %convert_element_type3A_233 {strides = array<i32>} : memref<320x2688xbf16, #tpu.memory_space<vmem>>, vector<320x128xbf16>,
      %get3A_237 = arith.constant 640 : index
      %get3A_238 = arith.constant 2 : index
      %get3A_239 = arith.constant 0 : index
      %get3A_240 = vector.load %arg2[%get3A_237, %get3A_238, %get3A_239] : memref<768x6x300xf32, #tpu.memory_space<vmem>>, vector<128x1x300xf32>
      %get3A_241 = vector.shape_cast %get3A_240 : vector<128x1x300xf32> to vector<128x300xf32>
      %concatenate3A_242 = tpu.concatenate %get3A_241, %broadcast_in_dim3A_16 in 1 : vector<128x300xf32>, vector<128x20xf32> -> vector<128x320xf32>
      %convert_element_type3A_243 = arith.truncf %concatenate3A_242 : vector<128x320xf32> to vector<128x320xbf16>
      %dot_general3A_244 = arith.constant dense<0.000000e+00> : vector<320x128xf32>
      %dot_general3A_245 = tpu.matmul %convert_element_type3A_243, %convert_element_type3A_14, %dot_general3A_244 {dimension_numbers = #tpu.dot_dimension_numbers<[0], [0], [1], [1], [0, 1, 1, 1], [], []>, transpose_lhs_hint = false} : vector<128x320xbf16>, vector<128x128xbf16>, vector<320x128xf32> -> vector<320x128xf32>
      %convert_element_type3A_246 = arith.truncf %dot_general3A_245 : vector<320x128xf32> to vector<320x128xbf16>
      %swap3A_247 = arith.constant 0 : index
      %swap3A_248 = arith.constant 2176 : index
      %swap3A_249 = vector.load %arg4[%swap3A_247, %swap3A_248] : memref<320x2688xbf16, #tpu.memory_space<vmem>>, vector<320x128xbf16>
      tpu.vector_store %arg4[%swap3A_247, %swap3A_248], %convert_element_type3A_246 {strides = array<i32>} : memref<320x2688xbf16, #tpu.memory_space<vmem>>, vector<320x128xbf16>,
      %get3A_250 = arith.constant 640 : index
      %get3A_251 = arith.constant 3 : index
      %get3A_252 = arith.constant 0 : index
      %get3A_253 = vector.load %arg2[%get3A_250, %get3A_251, %get3A_252] : memref<768x6x300xf32, #tpu.memory_space<vmem>>, vector<128x1x300xf32>
      %get3A_254 = vector.shape_cast %get3A_253 : vector<128x1x300xf32> to vector<128x300xf32>
      %concatenate3A_255 = tpu.concatenate %get3A_254, %broadcast_in_dim3A_16 in 1 : vector<128x300xf32>, vector<128x20xf32> -> vector<128x320xf32>
      %convert_element_type3A_256 = arith.truncf %concatenate3A_255 : vector<128x320xf32> to vector<128x320xbf16>
      %dot_general3A_257 = arith.constant dense<0.000000e+00> : vector<320x128xf32>
      %dot_general3A_258 = tpu.matmul %convert_element_type3A_256, %convert_element_type3A_14, %dot_general3A_257 {dimension_numbers = #tpu.dot_dimension_numbers<[0], [0], [1], [1], [0, 1, 1, 1], [], []>, transpose_lhs_hint = false} : vector<128x320xbf16>, vector<128x128xbf16>, vector<320x128xf32> -> vector<320x128xf32>
      %convert_element_type3A_259 = arith.truncf %dot_general3A_258 : vector<320x128xf32> to vector<320x128xbf16>
      %swap3A_260 = arith.constant 0 : index
      %swap3A_261 = arith.constant 2304 : index
      %swap3A_262 = vector.load %arg4[%swap3A_260, %swap3A_261] : memref<320x2688xbf16, #tpu.memory_space<vmem>>, vector<320x128xbf16>
      tpu.vector_store %arg4[%swap3A_260, %swap3A_261], %convert_element_type3A_259 {strides = array<i32>} : memref<320x2688xbf16, #tpu.memory_space<vmem>>, vector<320x128xbf16>,
      %get3A_263 = arith.constant 640 : index
      %get3A_264 = arith.constant 4 : index
      %get3A_265 = arith.constant 0 : index
      %get3A_266 = vector.load %arg2[%get3A_263, %get3A_264, %get3A_265] : memref<768x6x300xf32, #tpu.memory_space<vmem>>, vector<128x1x300xf32>
      %get3A_267 = vector.shape_cast %get3A_266 : vector<128x1x300xf32> to vector<128x300xf32>
      %concatenate3A_268 = tpu.concatenate %get3A_267, %broadcast_in_dim3A_16 in 1 : vector<128x300xf32>, vector<128x20xf32> -> vector<128x320xf32>
      %convert_element_type3A_269 = arith.truncf %concatenate3A_268 : vector<128x320xf32> to vector<128x320xbf16>
      %dot_general3A_270 = arith.constant dense<0.000000e+00> : vector<320x128xf32>
      %dot_general3A_271 = tpu.matmul %convert_element_type3A_269, %convert_element_type3A_14, %dot_general3A_270 {dimension_numbers = #tpu.dot_dimension_numbers<[0], [0], [1], [1], [0, 1, 1, 1], [], []>, transpose_lhs_hint = false} : vector<128x320xbf16>, vector<128x128xbf16>, vector<320x128xf32> -> vector<320x128xf32>
      %convert_element_type3A_272 = arith.truncf %dot_general3A_271 : vector<320x128xf32> to vector<320x128xbf16>
      %swap3A_273 = arith.constant 0 : index
      %swap3A_274 = arith.constant 2432 : index
      %swap3A_275 = vector.load %arg4[%swap3A_273, %swap3A_274] : memref<320x2688xbf16, #tpu.memory_space<vmem>>, vector<320x128xbf16>
      tpu.vector_store %arg4[%swap3A_273, %swap3A_274], %convert_element_type3A_272 {strides = array<i32>} : memref<320x2688xbf16, #tpu.memory_space<vmem>>, vector<320x128xbf16>,
      %get3A_276 = arith.constant 640 : index
      %get3A_277 = arith.constant 5 : index
      %get3A_278 = arith.constant 0 : index
      %get3A_279 = vector.load %arg2[%get3A_276, %get3A_277, %get3A_278] : memref<768x6x300xf32, #tpu.memory_space<vmem>>, vector<128x1x300xf32>
      %get3A_280 = vector.shape_cast %get3A_279 : vector<128x1x300xf32> to vector<128x300xf32>
      %concatenate3A_281 = tpu.concatenate %get3A_280, %broadcast_in_dim3A_16 in 1 : vector<128x300xf32>, vector<128x20xf32> -> vector<128x320xf32>
      %convert_element_type3A_282 = arith.truncf %concatenate3A_281 : vector<128x320xf32> to vector<128x320xbf16>
      %dot_general3A_283 = arith.constant dense<0.000000e+00> : vector<320x128xf32>
      %dot_general3A_284 = tpu.matmul %convert_element_type3A_282, %convert_element_type3A_14, %dot_general3A_283 {dimension_numbers = #tpu.dot_dimension_numbers<[0], [0], [1], [1], [0, 1, 1, 1], [], []>, transpose_lhs_hint = false} : vector<128x320xbf16>, vector<128x128xbf16>, vector<320x128xf32> -> vector<320x128xf32>
      %convert_element_type3A_285 = arith.truncf %dot_general3A_284 : vector<320x128xf32> to vector<320x128xbf16>
      %swap3A_286 = arith.constant 0 : index
      %swap3A_287 = arith.constant 2560 : index
      %swap3A_288 = vector.load %arg4[%swap3A_286, %swap3A_287] : memref<320x2688xbf16, #tpu.memory_space<vmem>>, vector<320x128xbf16>
      tpu.vector_store %arg4[%swap3A_286, %swap3A_287], %convert_element_type3A_285 {strides = array<i32>} : memref<320x2688xbf16, #tpu.memory_space<vmem>>, vector<320x128xbf16>,
    } else {
    }
    return
  }
  func.func @transform_0(%arg0: i32) -> (i32, i32) {
    %c0_i32 = arith.constant 0 : i32
    %c0_i32_0 = arith.constant 0 : i32
    return %c0_i32, %arg0 : i32, i32
  }
  func.func @transform_1(%arg0: i32) -> (i32, i32, i32) {
    %c0_i32 = arith.constant 0 : i32
    %c0_i32_0 = arith.constant 0 : i32
    %c0_i32_1 = arith.constant 0 : i32
    %c0_i32_2 = arith.constant 0 : i32
    return %c0_i32, %c0_i32_0, %c0_i32_1 : i32, i32, i32
  }
  func.func @transform_2(%arg0: i32) -> (i32, i32) {
    %c0_i32 = arith.constant 0 : i32
    %c0_i32_0 = arith.constant 0 : i32
    return %arg0, %c0_i32 : i32, i32
  }
  func.func @transform_3(%arg0: i32) -> (i32, i32) {
    %c0_i32 = arith.constant 0 : i32
    %c0_i32_0 = arith.constant 0 : i32
    %c0_i32_1 = arith.constant 0 : i32
    return %c0_i32, %c0_i32_0 : i32, i32
  }
}

module attributes {stable_mosaic.version = 14 : i64} {
  func.func @_tc_body(%arg0: i32, %arg1: memref<16xi32, #tpu.memory_space<smem>>, %arg2: memref<1x512x320xbf16, #tpu.memory_space<vmem>>, %arg3: memref<320x2688xbf16, #tpu.memory_space<vmem>>, %arg4: memref<8x2688xf32, #tpu.memory_space<vmem>>, %arg5: memref<768x128xf32, #tpu.memory_space<vmem>>, %arg6: memref<8x128xf32, #tpu.memory_space<vmem>>, %arg7: memref<1x8x128xf32, #tpu.memory_space<vmem>>) attributes {dimension_semantics = [#tpu.dimension_semantics<arbitrary>], iteration_bounds = array<i64: 16>, scalar_prefetch = 1 : i64, scratch_operands = 0 : i64, tpu.core_type = #tpu.core_type<tc>, window_params = [{transform_indices = @transform_0, window_bounds = array<i64: 1, 512, 320>}, {pipeline_mode = #tpu.pipeline_mode<synchronous>, transform_indices = @transform_1, window_bounds = array<i64: 320, 2688>}, {pipeline_mode = #tpu.pipeline_mode<synchronous>, transform_indices = @transform_2, window_bounds = array<i64: 8, 2688>}, {pipeline_mode = #tpu.pipeline_mode<synchronous>, transform_indices = @transform_3, window_bounds = array<i64: 768, 128>}, {pipeline_mode = #tpu.pipeline_mode<synchronous>, transform_indices = @transform_4, window_bounds = array<i64: 8, 128>}, {transform_indices = @transform_5, window_bounds = array<i64: 1, 8, 128>}]} {
    %get3A = arith.constant 0 : index
    %get3A_0 = arith.constant 0 : index
    %get3A_1 = arith.constant 0 : index
    %get3A_2 = vector.load %arg2[%get3A, %get3A_0, %get3A_1] : memref<1x512x320xbf16, #tpu.memory_space<vmem>>, vector<1x512x320xbf16>
    %get3A_3 = vector.shape_cast %get3A_2 : vector<1x512x320xbf16> to vector<512x320xbf16>
    %get3A_4 = arith.index_cast %arg0 : i32 to index
    %get3A_5 = memref.load %arg1[%get3A_4] : memref<16xi32, #tpu.memory_space<smem>>
    %iota3A = tpu.iota {dimensions = array<i32: 0>} : vector<512x128xi32>
    %get3A_6 = arith.constant 0 : index
    %get3A_7 = arith.constant 0 : index
    %get3A_8 = vector.load %arg3[%get3A_6, %get3A_7] : memref<320x2688xbf16, #tpu.memory_space<vmem>>, vector<320x128xbf16>
    %dot_general3A = arith.constant dense<0.000000e+00> : vector<512x128xf32>
    %dot_general3A_9 = tpu.matmul %get3A_3, %get3A_8, %dot_general3A {dimension_numbers = #tpu.dot_dimension_numbers<[1], [0], [0], [1], [0, 0, 1, 1], [], []>, transpose_lhs_hint = false} : vector<512x320xbf16>, vector<320x128xbf16>, vector<512x128xf32> -> vector<512x128xf32>
    %get3A_10 = arith.constant 1 : index
    %get3A_11 = arith.constant 0 : index
    %get3A_12 = vector.load %arg4[%get3A_10, %get3A_11] : memref<8x2688xf32, #tpu.memory_space<vmem>>, vector<1x128xf32>
    %add3A = vector.broadcast %get3A_12 : vector<1x128xf32> to vector<512x128xf32>
    %add3A_13 = arith.addf %dot_general3A_9, %add3A : vector<512x128xf32>
    %get3A_14 = arith.constant 0 : index
    %get3A_15 = arith.constant 0 : index
    %get3A_16 = vector.load %arg4[%get3A_14, %get3A_15] : memref<8x2688xf32, #tpu.memory_space<vmem>>, vector<1x128xf32>
    %max3A = vector.broadcast %get3A_16 : vector<1x128xf32> to vector<512x128xf32>
    %max3A_17 = arith.maximumf %add3A_13, %max3A : vector<512x128xf32>
    %sub3A = arith.constant 1 : i32
    %sub3A_18 = arith.subi %get3A_5, %sub3A : i32
    %le3A = vector.broadcast %sub3A_18 : i32 to vector<512x128xi32>
    %le3A_19 = arith.cmpi sle, %iota3A, %le3A : vector<512x128xi32>
    %jit3A = arith.constant 0xFF800000 : f32
    %broadcast_in_dim3A = vector.broadcast %jit3A : f32 to vector<512x128xf32>
    %select_n3A = arith.select %le3A_19, %max3A_17, %broadcast_in_dim3A : vector<512x128xi1>, vector<512x128xf32>
    %reduce_max3A = arith.constant dense<0xFF800000> : vector<128xf32>
    %reduce_max3A_20 = vector.multi_reduction <maximumf>, %select_n3A, %reduce_max3A [0] : vector<512x128xf32> to vector<128xf32>
    %broadcast_in_dim3A_21 = vector.shape_cast %reduce_max3A_20 : vector<128xf32> to vector<1x128xf32>
    %get3A_22 = arith.constant 0 : index
    %get3A_23 = arith.constant 128 : index
    %get3A_24 = vector.load %arg3[%get3A_22, %get3A_23] : memref<320x2688xbf16, #tpu.memory_space<vmem>>, vector<320x256xbf16>
    %dot_general3A_25 = arith.constant dense<0.000000e+00> : vector<512x256xf32>
    %dot_general3A_26 = tpu.matmul %get3A_3, %get3A_24, %dot_general3A_25 {dimension_numbers = #tpu.dot_dimension_numbers<[1], [0], [0], [1], [0, 0, 1, 1], [], []>, transpose_lhs_hint = false} : vector<512x320xbf16>, vector<320x256xbf16>, vector<512x256xf32> -> vector<512x256xf32>
    %slice3A = vector.extract_strided_slice %dot_general3A_26 {offsets = [0, 0], sizes = [512, 128], strides = [1, 1]} : vector<512x256xf32> to vector<512x128xf32>
    %get3A_27 = arith.constant 1 : index
    %get3A_28 = arith.constant 128 : index
    %get3A_29 = vector.load %arg4[%get3A_27, %get3A_28] : memref<8x2688xf32, #tpu.memory_space<vmem>>, vector<1x128xf32>
    %add3A_30 = vector.broadcast %get3A_29 : vector<1x128xf32> to vector<512x128xf32>
    %add3A_31 = arith.addf %slice3A, %add3A_30 : vector<512x128xf32>
    %get3A_32 = arith.constant 0 : index
    %get3A_33 = arith.constant 128 : index
    %get3A_34 = vector.load %arg4[%get3A_32, %get3A_33] : memref<8x2688xf32, #tpu.memory_space<vmem>>, vector<1x128xf32>
    %max3A_35 = vector.broadcast %get3A_34 : vector<1x128xf32> to vector<512x128xf32>
    %max3A_36 = arith.maximumf %add3A_31, %max3A_35 : vector<512x128xf32>
    %slice3A_37 = vector.extract_strided_slice %dot_general3A_26 {offsets = [0, 128], sizes = [512, 128], strides = [1, 1]} : vector<512x256xf32> to vector<512x128xf32>
    %get3A_38 = arith.constant 1 : index
    %get3A_39 = arith.constant 256 : index
    %get3A_40 = vector.load %arg4[%get3A_38, %get3A_39] : memref<8x2688xf32, #tpu.memory_space<vmem>>, vector<1x128xf32>
    %add3A_41 = vector.broadcast %get3A_40 : vector<1x128xf32> to vector<512x128xf32>
    %add3A_42 = arith.addf %slice3A_37, %add3A_41 : vector<512x128xf32>
    %get3A_43 = arith.constant 0 : index
    %get3A_44 = arith.constant 256 : index
    %get3A_45 = vector.load %arg4[%get3A_43, %get3A_44] : memref<8x2688xf32, #tpu.memory_space<vmem>>, vector<1x128xf32>
    %max3A_46 = vector.broadcast %get3A_45 : vector<1x128xf32> to vector<512x128xf32>
    %max3A_47 = arith.maximumf %add3A_42, %max3A_46 : vector<512x128xf32>
    %slice3A_48 = vector.extract_strided_slice %max3A_47 {offsets = [1, 0], sizes = [511, 128], strides = [1, 1]} : vector<512x128xf32> to vector<511x128xf32>
    %broadcast_in_dim3A_49 = arith.constant 0xFF800000 : f32
    %broadcast_in_dim3A_50 = vector.broadcast %broadcast_in_dim3A_49 : f32 to vector<1x128xf32>
    %concatenate3A = tpu.concatenate %slice3A_48, %broadcast_in_dim3A_50 in 0 : vector<511x128xf32>, vector<1x128xf32> -> vector<512x128xf32>
    %add3A_51 = arith.addf %max3A_36, %concatenate3A : vector<512x128xf32>
    %sub3A_52 = arith.constant 2 : i32
    %sub3A_53 = arith.subi %get3A_5, %sub3A_52 : i32
    %le3A_54 = vector.broadcast %sub3A_53 : i32 to vector<512x128xi32>
    %le3A_55 = arith.cmpi sle, %iota3A, %le3A_54 : vector<512x128xi32>
    %jit3A_56 = arith.constant 0xFF800000 : f32
    %broadcast_in_dim3A_57 = vector.broadcast %jit3A_56 : f32 to vector<512x128xf32>
    %select_n3A_58 = arith.select %le3A_55, %add3A_51, %broadcast_in_dim3A_57 : vector<512x128xi1>, vector<512x128xf32>
    %reduce_max3A_59 = arith.constant dense<0xFF800000> : vector<128xf32>
    %reduce_max3A_60 = vector.multi_reduction <maximumf>, %select_n3A_58, %reduce_max3A_59 [0] : vector<512x128xf32> to vector<128xf32>
    %broadcast_in_dim3A_61 = vector.shape_cast %reduce_max3A_60 : vector<128xf32> to vector<1x128xf32>
    %get3A_62 = arith.constant 0 : index
    %get3A_63 = arith.constant 384 : index
    %get3A_64 = vector.load %arg3[%get3A_62, %get3A_63] : memref<320x2688xbf16, #tpu.memory_space<vmem>>, vector<320x384xbf16>
    %dot_general3A_65 = arith.constant dense<0.000000e+00> : vector<512x384xf32>
    %dot_general3A_66 = tpu.matmul %get3A_3, %get3A_64, %dot_general3A_65 {dimension_numbers = #tpu.dot_dimension_numbers<[1], [0], [0], [1], [0, 0, 1, 1], [], []>, transpose_lhs_hint = false} : vector<512x320xbf16>, vector<320x384xbf16>, vector<512x384xf32> -> vector<512x384xf32>
    %slice3A_67 = vector.extract_strided_slice %dot_general3A_66 {offsets = [0, 0], sizes = [512, 128], strides = [1, 1]} : vector<512x384xf32> to vector<512x128xf32>
    %get3A_68 = arith.constant 1 : index
    %get3A_69 = arith.constant 384 : index
    %get3A_70 = vector.load %arg4[%get3A_68, %get3A_69] : memref<8x2688xf32, #tpu.memory_space<vmem>>, vector<1x128xf32>
    %add3A_71 = vector.broadcast %get3A_70 : vector<1x128xf32> to vector<512x128xf32>
    %add3A_72 = arith.addf %slice3A_67, %add3A_71 : vector<512x128xf32>
    %get3A_73 = arith.constant 0 : index
    %get3A_74 = arith.constant 384 : index
    %get3A_75 = vector.load %arg4[%get3A_73, %get3A_74] : memref<8x2688xf32, #tpu.memory_space<vmem>>, vector<1x128xf32>
    %max3A_76 = vector.broadcast %get3A_75 : vector<1x128xf32> to vector<512x128xf32>
    %max3A_77 = arith.maximumf %add3A_72, %max3A_76 : vector<512x128xf32>
    %slice3A_78 = vector.extract_strided_slice %dot_general3A_66 {offsets = [0, 128], sizes = [512, 128], strides = [1, 1]} : vector<512x384xf32> to vector<512x128xf32>
    %get3A_79 = arith.constant 1 : index
    %get3A_80 = arith.constant 512 : index
    %get3A_81 = vector.load %arg4[%get3A_79, %get3A_80] : memref<8x2688xf32, #tpu.memory_space<vmem>>, vector<1x128xf32>
    %add3A_82 = vector.broadcast %get3A_81 : vector<1x128xf32> to vector<512x128xf32>
    %add3A_83 = arith.addf %slice3A_78, %add3A_82 : vector<512x128xf32>
    %get3A_84 = arith.constant 0 : index
    %get3A_85 = arith.constant 512 : index
    %get3A_86 = vector.load %arg4[%get3A_84, %get3A_85] : memref<8x2688xf32, #tpu.memory_space<vmem>>, vector<1x128xf32>
    %max3A_87 = vector.broadcast %get3A_86 : vector<1x128xf32> to vector<512x128xf32>
    %max3A_88 = arith.maximumf %add3A_83, %max3A_87 : vector<512x128xf32>
    %slice3A_89 = vector.extract_strided_slice %max3A_88 {offsets = [1, 0], sizes = [511, 128], strides = [1, 1]} : vector<512x128xf32> to vector<511x128xf32>
    %broadcast_in_dim3A_90 = arith.constant 0xFF800000 : f32
    %broadcast_in_dim3A_91 = vector.broadcast %broadcast_in_dim3A_90 : f32 to vector<1x128xf32>
    %concatenate3A_92 = tpu.concatenate %slice3A_89, %broadcast_in_dim3A_91 in 0 : vector<511x128xf32>, vector<1x128xf32> -> vector<512x128xf32>
    %add3A_93 = arith.addf %max3A_77, %concatenate3A_92 : vector<512x128xf32>
    %slice3A_94 = vector.extract_strided_slice %dot_general3A_66 {offsets = [0, 256], sizes = [512, 128], strides = [1, 1]} : vector<512x384xf32> to vector<512x128xf32>
    %get3A_95 = arith.constant 1 : index
    %get3A_96 = arith.constant 640 : index
    %get3A_97 = vector.load %arg4[%get3A_95, %get3A_96] : memref<8x2688xf32, #tpu.memory_space<vmem>>, vector<1x128xf32>
    %add3A_98 = vector.broadcast %get3A_97 : vector<1x128xf32> to vector<512x128xf32>
    %add3A_99 = arith.addf %slice3A_94, %add3A_98 : vector<512x128xf32>
    %get3A_100 = arith.constant 0 : index
    %get3A_101 = arith.constant 640 : index
    %get3A_102 = vector.load %arg4[%get3A_100, %get3A_101] : memref<8x2688xf32, #tpu.memory_space<vmem>>, vector<1x128xf32>
    %max3A_103 = vector.broadcast %get3A_102 : vector<1x128xf32> to vector<512x128xf32>
    %max3A_104 = arith.maximumf %add3A_99, %max3A_103 : vector<512x128xf32>
    %slice3A_105 = vector.extract_strided_slice %max3A_104 {offsets = [2, 0], sizes = [510, 128], strides = [1, 1]} : vector<512x128xf32> to vector<510x128xf32>
    %broadcast_in_dim3A_106 = arith.constant 0xFF800000 : f32
    %broadcast_in_dim3A_107 = vector.broadcast %broadcast_in_dim3A_106 : f32 to vector<2x128xf32>
    %concatenate3A_108 = tpu.concatenate %slice3A_105, %broadcast_in_dim3A_107 in 0 : vector<510x128xf32>, vector<2x128xf32> -> vector<512x128xf32>
    %add3A_109 = arith.addf %add3A_93, %concatenate3A_108 : vector<512x128xf32>
    %sub3A_110 = arith.constant 3 : i32
    %sub3A_111 = arith.subi %get3A_5, %sub3A_110 : i32
    %le3A_112 = vector.broadcast %sub3A_111 : i32 to vector<512x128xi32>
    %le3A_113 = arith.cmpi sle, %iota3A, %le3A_112 : vector<512x128xi32>
    %jit3A_114 = arith.constant 0xFF800000 : f32
    %broadcast_in_dim3A_115 = vector.broadcast %jit3A_114 : f32 to vector<512x128xf32>
    %select_n3A_116 = arith.select %le3A_113, %add3A_109, %broadcast_in_dim3A_115 : vector<512x128xi1>, vector<512x128xf32>
    %reduce_max3A_117 = arith.constant dense<0xFF800000> : vector<128xf32>
    %reduce_max3A_118 = vector.multi_reduction <maximumf>, %select_n3A_116, %reduce_max3A_117 [0] : vector<512x128xf32> to vector<128xf32>
    %broadcast_in_dim3A_119 = vector.shape_cast %reduce_max3A_118 : vector<128xf32> to vector<1x128xf32>
    %get3A_120 = arith.constant 0 : index
    %get3A_121 = arith.constant 768 : index
    %get3A_122 = vector.load %arg3[%get3A_120, %get3A_121] : memref<320x2688xbf16, #tpu.memory_space<vmem>>, vector<320x512xbf16>
    %dot_general3A_123 = arith.constant dense<0.000000e+00> : vector<512x512xf32>
    %dot_general3A_124 = tpu.matmul %get3A_3, %get3A_122, %dot_general3A_123 {dimension_numbers = #tpu.dot_dimension_numbers<[1], [0], [0], [1], [0, 0, 1, 1], [], []>, transpose_lhs_hint = false} : vector<512x320xbf16>, vector<320x512xbf16>, vector<512x512xf32> -> vector<512x512xf32>
    %slice3A_125 = vector.extract_strided_slice %dot_general3A_124 {offsets = [0, 0], sizes = [512, 128], strides = [1, 1]} : vector<512x512xf32> to vector<512x128xf32>
    %get3A_126 = arith.constant 1 : index
    %get3A_127 = arith.constant 768 : index
    %get3A_128 = vector.load %arg4[%get3A_126, %get3A_127] : memref<8x2688xf32, #tpu.memory_space<vmem>>, vector<1x128xf32>
    %add3A_129 = vector.broadcast %get3A_128 : vector<1x128xf32> to vector<512x128xf32>
    %add3A_130 = arith.addf %slice3A_125, %add3A_129 : vector<512x128xf32>
    %get3A_131 = arith.constant 0 : index
    %get3A_132 = arith.constant 768 : index
    %get3A_133 = vector.load %arg4[%get3A_131, %get3A_132] : memref<8x2688xf32, #tpu.memory_space<vmem>>, vector<1x128xf32>
    %max3A_134 = vector.broadcast %get3A_133 : vector<1x128xf32> to vector<512x128xf32>
    %max3A_135 = arith.maximumf %add3A_130, %max3A_134 : vector<512x128xf32>
    %slice3A_136 = vector.extract_strided_slice %dot_general3A_124 {offsets = [0, 128], sizes = [512, 128], strides = [1, 1]} : vector<512x512xf32> to vector<512x128xf32>
    %get3A_137 = arith.constant 1 : index
    %get3A_138 = arith.constant 896 : index
    %get3A_139 = vector.load %arg4[%get3A_137, %get3A_138] : memref<8x2688xf32, #tpu.memory_space<vmem>>, vector<1x128xf32>
    %add3A_140 = vector.broadcast %get3A_139 : vector<1x128xf32> to vector<512x128xf32>
    %add3A_141 = arith.addf %slice3A_136, %add3A_140 : vector<512x128xf32>
    %get3A_142 = arith.constant 0 : index
    %get3A_143 = arith.constant 896 : index
    %get3A_144 = vector.load %arg4[%get3A_142, %get3A_143] : memref<8x2688xf32, #tpu.memory_space<vmem>>, vector<1x128xf32>
    %max3A_145 = vector.broadcast %get3A_144 : vector<1x128xf32> to vector<512x128xf32>
    %max3A_146 = arith.maximumf %add3A_141, %max3A_145 : vector<512x128xf32>
    %slice3A_147 = vector.extract_strided_slice %max3A_146 {offsets = [1, 0], sizes = [511, 128], strides = [1, 1]} : vector<512x128xf32> to vector<511x128xf32>
    %broadcast_in_dim3A_148 = arith.constant 0xFF800000 : f32
    %broadcast_in_dim3A_149 = vector.broadcast %broadcast_in_dim3A_148 : f32 to vector<1x128xf32>
    %concatenate3A_150 = tpu.concatenate %slice3A_147, %broadcast_in_dim3A_149 in 0 : vector<511x128xf32>, vector<1x128xf32> -> vector<512x128xf32>
    %add3A_151 = arith.addf %max3A_135, %concatenate3A_150 : vector<512x128xf32>
    %slice3A_152 = vector.extract_strided_slice %dot_general3A_124 {offsets = [0, 256], sizes = [512, 128], strides = [1, 1]} : vector<512x512xf32> to vector<512x128xf32>
    %get3A_153 = arith.constant 1 : index
    %get3A_154 = arith.constant 1024 : index
    %get3A_155 = vector.load %arg4[%get3A_153, %get3A_154] : memref<8x2688xf32, #tpu.memory_space<vmem>>, vector<1x128xf32>
    %add3A_156 = vector.broadcast %get3A_155 : vector<1x128xf32> to vector<512x128xf32>
    %add3A_157 = arith.addf %slice3A_152, %add3A_156 : vector<512x128xf32>
    %get3A_158 = arith.constant 0 : index
    %get3A_159 = arith.constant 1024 : index
    %get3A_160 = vector.load %arg4[%get3A_158, %get3A_159] : memref<8x2688xf32, #tpu.memory_space<vmem>>, vector<1x128xf32>
    %max3A_161 = vector.broadcast %get3A_160 : vector<1x128xf32> to vector<512x128xf32>
    %max3A_162 = arith.maximumf %add3A_157, %max3A_161 : vector<512x128xf32>
    %slice3A_163 = vector.extract_strided_slice %max3A_162 {offsets = [2, 0], sizes = [510, 128], strides = [1, 1]} : vector<512x128xf32> to vector<510x128xf32>
    %broadcast_in_dim3A_164 = arith.constant 0xFF800000 : f32
    %broadcast_in_dim3A_165 = vector.broadcast %broadcast_in_dim3A_164 : f32 to vector<2x128xf32>
    %concatenate3A_166 = tpu.concatenate %slice3A_163, %broadcast_in_dim3A_165 in 0 : vector<510x128xf32>, vector<2x128xf32> -> vector<512x128xf32>
    %add3A_167 = arith.addf %add3A_151, %concatenate3A_166 : vector<512x128xf32>
    %slice3A_168 = vector.extract_strided_slice %dot_general3A_124 {offsets = [0, 384], sizes = [512, 128], strides = [1, 1]} : vector<512x512xf32> to vector<512x128xf32>
    %get3A_169 = arith.constant 1 : index
    %get3A_170 = arith.constant 1152 : index
    %get3A_171 = vector.load %arg4[%get3A_169, %get3A_170] : memref<8x2688xf32, #tpu.memory_space<vmem>>, vector<1x128xf32>
    %add3A_172 = vector.broadcast %get3A_171 : vector<1x128xf32> to vector<512x128xf32>
    %add3A_173 = arith.addf %slice3A_168, %add3A_172 : vector<512x128xf32>
    %get3A_174 = arith.constant 0 : index
    %get3A_175 = arith.constant 1152 : index
    %get3A_176 = vector.load %arg4[%get3A_174, %get3A_175] : memref<8x2688xf32, #tpu.memory_space<vmem>>, vector<1x128xf32>
    %max3A_177 = vector.broadcast %get3A_176 : vector<1x128xf32> to vector<512x128xf32>
    %max3A_178 = arith.maximumf %add3A_173, %max3A_177 : vector<512x128xf32>
    %slice3A_179 = vector.extract_strided_slice %max3A_178 {offsets = [3, 0], sizes = [509, 128], strides = [1, 1]} : vector<512x128xf32> to vector<509x128xf32>
    %broadcast_in_dim3A_180 = arith.constant 0xFF800000 : f32
    %broadcast_in_dim3A_181 = vector.broadcast %broadcast_in_dim3A_180 : f32 to vector<3x128xf32>
    %concatenate3A_182 = tpu.concatenate %slice3A_179, %broadcast_in_dim3A_181 in 0 : vector<509x128xf32>, vector<3x128xf32> -> vector<512x128xf32>
    %add3A_183 = arith.addf %add3A_167, %concatenate3A_182 : vector<512x128xf32>
    %sub3A_184 = arith.constant 4 : i32
    %sub3A_185 = arith.subi %get3A_5, %sub3A_184 : i32
    %le3A_186 = vector.broadcast %sub3A_185 : i32 to vector<512x128xi32>
    %le3A_187 = arith.cmpi sle, %iota3A, %le3A_186 : vector<512x128xi32>
    %jit3A_188 = arith.constant 0xFF800000 : f32
    %broadcast_in_dim3A_189 = vector.broadcast %jit3A_188 : f32 to vector<512x128xf32>
    %select_n3A_190 = arith.select %le3A_187, %add3A_183, %broadcast_in_dim3A_189 : vector<512x128xi1>, vector<512x128xf32>
    %reduce_max3A_191 = arith.constant dense<0xFF800000> : vector<128xf32>
    %reduce_max3A_192 = vector.multi_reduction <maximumf>, %select_n3A_190, %reduce_max3A_191 [0] : vector<512x128xf32> to vector<128xf32>
    %broadcast_in_dim3A_193 = vector.shape_cast %reduce_max3A_192 : vector<128xf32> to vector<1x128xf32>
    %get3A_194 = arith.constant 0 : index
    %get3A_195 = arith.constant 1280 : index
    %get3A_196 = vector.load %arg3[%get3A_194, %get3A_195] : memref<320x2688xbf16, #tpu.memory_space<vmem>>, vector<320x640xbf16>
    %dot_general3A_197 = arith.constant dense<0.000000e+00> : vector<512x640xf32>
    %dot_general3A_198 = tpu.matmul %get3A_3, %get3A_196, %dot_general3A_197 {dimension_numbers = #tpu.dot_dimension_numbers<[1], [0], [0], [1], [0, 0, 1, 1], [], []>, transpose_lhs_hint = false} : vector<512x320xbf16>, vector<320x640xbf16>, vector<512x640xf32> -> vector<512x640xf32>
    %slice3A_199 = vector.extract_strided_slice %dot_general3A_198 {offsets = [0, 0], sizes = [512, 128], strides = [1, 1]} : vector<512x640xf32> to vector<512x128xf32>
    %get3A_200 = arith.constant 1 : index
    %get3A_201 = arith.constant 1280 : index
    %get3A_202 = vector.load %arg4[%get3A_200, %get3A_201] : memref<8x2688xf32, #tpu.memory_space<vmem>>, vector<1x128xf32>
    %add3A_203 = vector.broadcast %get3A_202 : vector<1x128xf32> to vector<512x128xf32>
    %add3A_204 = arith.addf %slice3A_199, %add3A_203 : vector<512x128xf32>
    %get3A_205 = arith.constant 0 : index
    %get3A_206 = arith.constant 1280 : index
    %get3A_207 = vector.load %arg4[%get3A_205, %get3A_206] : memref<8x2688xf32, #tpu.memory_space<vmem>>, vector<1x128xf32>
    %max3A_208 = vector.broadcast %get3A_207 : vector<1x128xf32> to vector<512x128xf32>
    %max3A_209 = arith.maximumf %add3A_204, %max3A_208 : vector<512x128xf32>
    %slice3A_210 = vector.extract_strided_slice %dot_general3A_198 {offsets = [0, 128], sizes = [512, 128], strides = [1, 1]} : vector<512x640xf32> to vector<512x128xf32>
    %get3A_211 = arith.constant 1 : index
    %get3A_212 = arith.constant 1408 : index
    %get3A_213 = vector.load %arg4[%get3A_211, %get3A_212] : memref<8x2688xf32, #tpu.memory_space<vmem>>, vector<1x128xf32>
    %add3A_214 = vector.broadcast %get3A_213 : vector<1x128xf32> to vector<512x128xf32>
    %add3A_215 = arith.addf %slice3A_210, %add3A_214 : vector<512x128xf32>
    %get3A_216 = arith.constant 0 : index
    %get3A_217 = arith.constant 1408 : index
    %get3A_218 = vector.load %arg4[%get3A_216, %get3A_217] : memref<8x2688xf32, #tpu.memory_space<vmem>>, vector<1x128xf32>
    %max3A_219 = vector.broadcast %get3A_218 : vector<1x128xf32> to vector<512x128xf32>
    %max3A_220 = arith.maximumf %add3A_215, %max3A_219 : vector<512x128xf32>
    %slice3A_221 = vector.extract_strided_slice %max3A_220 {offsets = [1, 0], sizes = [511, 128], strides = [1, 1]} : vector<512x128xf32> to vector<511x128xf32>
    %broadcast_in_dim3A_222 = arith.constant 0xFF800000 : f32
    %broadcast_in_dim3A_223 = vector.broadcast %broadcast_in_dim3A_222 : f32 to vector<1x128xf32>
    %concatenate3A_224 = tpu.concatenate %slice3A_221, %broadcast_in_dim3A_223 in 0 : vector<511x128xf32>, vector<1x128xf32> -> vector<512x128xf32>
    %add3A_225 = arith.addf %max3A_209, %concatenate3A_224 : vector<512x128xf32>
    %slice3A_226 = vector.extract_strided_slice %dot_general3A_198 {offsets = [0, 256], sizes = [512, 128], strides = [1, 1]} : vector<512x640xf32> to vector<512x128xf32>
    %get3A_227 = arith.constant 1 : index
    %get3A_228 = arith.constant 1536 : index
    %get3A_229 = vector.load %arg4[%get3A_227, %get3A_228] : memref<8x2688xf32, #tpu.memory_space<vmem>>, vector<1x128xf32>
    %add3A_230 = vector.broadcast %get3A_229 : vector<1x128xf32> to vector<512x128xf32>
    %add3A_231 = arith.addf %slice3A_226, %add3A_230 : vector<512x128xf32>
    %get3A_232 = arith.constant 0 : index
    %get3A_233 = arith.constant 1536 : index
    %get3A_234 = vector.load %arg4[%get3A_232, %get3A_233] : memref<8x2688xf32, #tpu.memory_space<vmem>>, vector<1x128xf32>
    %max3A_235 = vector.broadcast %get3A_234 : vector<1x128xf32> to vector<512x128xf32>
    %max3A_236 = arith.maximumf %add3A_231, %max3A_235 : vector<512x128xf32>
    %slice3A_237 = vector.extract_strided_slice %max3A_236 {offsets = [2, 0], sizes = [510, 128], strides = [1, 1]} : vector<512x128xf32> to vector<510x128xf32>
    %broadcast_in_dim3A_238 = arith.constant 0xFF800000 : f32
    %broadcast_in_dim3A_239 = vector.broadcast %broadcast_in_dim3A_238 : f32 to vector<2x128xf32>
    %concatenate3A_240 = tpu.concatenate %slice3A_237, %broadcast_in_dim3A_239 in 0 : vector<510x128xf32>, vector<2x128xf32> -> vector<512x128xf32>
    %add3A_241 = arith.addf %add3A_225, %concatenate3A_240 : vector<512x128xf32>
    %slice3A_242 = vector.extract_strided_slice %dot_general3A_198 {offsets = [0, 384], sizes = [512, 128], strides = [1, 1]} : vector<512x640xf32> to vector<512x128xf32>
    %get3A_243 = arith.constant 1 : index
    %get3A_244 = arith.constant 1664 : index
    %get3A_245 = vector.load %arg4[%get3A_243, %get3A_244] : memref<8x2688xf32, #tpu.memory_space<vmem>>, vector<1x128xf32>
    %add3A_246 = vector.broadcast %get3A_245 : vector<1x128xf32> to vector<512x128xf32>
    %add3A_247 = arith.addf %slice3A_242, %add3A_246 : vector<512x128xf32>
    %get3A_248 = arith.constant 0 : index
    %get3A_249 = arith.constant 1664 : index
    %get3A_250 = vector.load %arg4[%get3A_248, %get3A_249] : memref<8x2688xf32, #tpu.memory_space<vmem>>, vector<1x128xf32>
    %max3A_251 = vector.broadcast %get3A_250 : vector<1x128xf32> to vector<512x128xf32>
    %max3A_252 = arith.maximumf %add3A_247, %max3A_251 : vector<512x128xf32>
    %slice3A_253 = vector.extract_strided_slice %max3A_252 {offsets = [3, 0], sizes = [509, 128], strides = [1, 1]} : vector<512x128xf32> to vector<509x128xf32>
    %broadcast_in_dim3A_254 = arith.constant 0xFF800000 : f32
    %broadcast_in_dim3A_255 = vector.broadcast %broadcast_in_dim3A_254 : f32 to vector<3x128xf32>
    %concatenate3A_256 = tpu.concatenate %slice3A_253, %broadcast_in_dim3A_255 in 0 : vector<509x128xf32>, vector<3x128xf32> -> vector<512x128xf32>
    %add3A_257 = arith.addf %add3A_241, %concatenate3A_256 : vector<512x128xf32>
    %slice3A_258 = vector.extract_strided_slice %dot_general3A_198 {offsets = [0, 512], sizes = [512, 128], strides = [1, 1]} : vector<512x640xf32> to vector<512x128xf32>
    %get3A_259 = arith.constant 1 : index
    %get3A_260 = arith.constant 1792 : index
    %get3A_261 = vector.load %arg4[%get3A_259, %get3A_260] : memref<8x2688xf32, #tpu.memory_space<vmem>>, vector<1x128xf32>
    %add3A_262 = vector.broadcast %get3A_261 : vector<1x128xf32> to vector<512x128xf32>
    %add3A_263 = arith.addf %slice3A_258, %add3A_262 : vector<512x128xf32>
    %get3A_264 = arith.constant 0 : index
    %get3A_265 = arith.constant 1792 : index
    %get3A_266 = vector.load %arg4[%get3A_264, %get3A_265] : memref<8x2688xf32, #tpu.memory_space<vmem>>, vector<1x128xf32>
    %max3A_267 = vector.broadcast %get3A_266 : vector<1x128xf32> to vector<512x128xf32>
    %max3A_268 = arith.maximumf %add3A_263, %max3A_267 : vector<512x128xf32>
    %slice3A_269 = vector.extract_strided_slice %max3A_268 {offsets = [4, 0], sizes = [508, 128], strides = [1, 1]} : vector<512x128xf32> to vector<508x128xf32>
    %broadcast_in_dim3A_270 = arith.constant 0xFF800000 : f32
    %broadcast_in_dim3A_271 = vector.broadcast %broadcast_in_dim3A_270 : f32 to vector<4x128xf32>
    %concatenate3A_272 = tpu.concatenate %slice3A_269, %broadcast_in_dim3A_271 in 0 : vector<508x128xf32>, vector<4x128xf32> -> vector<512x128xf32>
    %add3A_273 = arith.addf %add3A_257, %concatenate3A_272 : vector<512x128xf32>
    %sub3A_274 = arith.constant 5 : i32
    %sub3A_275 = arith.subi %get3A_5, %sub3A_274 : i32
    %le3A_276 = vector.broadcast %sub3A_275 : i32 to vector<512x128xi32>
    %le3A_277 = arith.cmpi sle, %iota3A, %le3A_276 : vector<512x128xi32>
    %jit3A_278 = arith.constant 0xFF800000 : f32
    %broadcast_in_dim3A_279 = vector.broadcast %jit3A_278 : f32 to vector<512x128xf32>
    %select_n3A_280 = arith.select %le3A_277, %add3A_273, %broadcast_in_dim3A_279 : vector<512x128xi1>, vector<512x128xf32>
    %reduce_max3A_281 = arith.constant dense<0xFF800000> : vector<128xf32>
    %reduce_max3A_282 = vector.multi_reduction <maximumf>, %select_n3A_280, %reduce_max3A_281 [0] : vector<512x128xf32> to vector<128xf32>
    %broadcast_in_dim3A_283 = vector.shape_cast %reduce_max3A_282 : vector<128xf32> to vector<1x128xf32>
    %get3A_284 = arith.constant 0 : index
    %get3A_285 = arith.constant 1920 : index
    %get3A_286 = vector.load %arg3[%get3A_284, %get3A_285] : memref<320x2688xbf16, #tpu.memory_space<vmem>>, vector<320x768xbf16>
    %dot_general3A_287 = arith.constant dense<0.000000e+00> : vector<512x768xf32>
    %dot_general3A_288 = tpu.matmul %get3A_3, %get3A_286, %dot_general3A_287 {dimension_numbers = #tpu.dot_dimension_numbers<[1], [0], [0], [1], [0, 0, 1, 1], [], []>, transpose_lhs_hint = false} : vector<512x320xbf16>, vector<320x768xbf16>, vector<512x768xf32> -> vector<512x768xf32>
    %slice3A_289 = vector.extract_strided_slice %dot_general3A_288 {offsets = [0, 0], sizes = [512, 128], strides = [1, 1]} : vector<512x768xf32> to vector<512x128xf32>
    %get3A_290 = arith.constant 1 : index
    %get3A_291 = arith.constant 1920 : index
    %get3A_292 = vector.load %arg4[%get3A_290, %get3A_291] : memref<8x2688xf32, #tpu.memory_space<vmem>>, vector<1x128xf32>
    %add3A_293 = vector.broadcast %get3A_292 : vector<1x128xf32> to vector<512x128xf32>
    %add3A_294 = arith.addf %slice3A_289, %add3A_293 : vector<512x128xf32>
    %get3A_295 = arith.constant 0 : index
    %get3A_296 = arith.constant 1920 : index
    %get3A_297 = vector.load %arg4[%get3A_295, %get3A_296] : memref<8x2688xf32, #tpu.memory_space<vmem>>, vector<1x128xf32>
    %max3A_298 = vector.broadcast %get3A_297 : vector<1x128xf32> to vector<512x128xf32>
    %max3A_299 = arith.maximumf %add3A_294, %max3A_298 : vector<512x128xf32>
    %slice3A_300 = vector.extract_strided_slice %dot_general3A_288 {offsets = [0, 128], sizes = [512, 128], strides = [1, 1]} : vector<512x768xf32> to vector<512x128xf32>
    %get3A_301 = arith.constant 1 : index
    %get3A_302 = arith.constant 2048 : index
    %get3A_303 = vector.load %arg4[%get3A_301, %get3A_302] : memref<8x2688xf32, #tpu.memory_space<vmem>>, vector<1x128xf32>
    %add3A_304 = vector.broadcast %get3A_303 : vector<1x128xf32> to vector<512x128xf32>
    %add3A_305 = arith.addf %slice3A_300, %add3A_304 : vector<512x128xf32>
    %get3A_306 = arith.constant 0 : index
    %get3A_307 = arith.constant 2048 : index
    %get3A_308 = vector.load %arg4[%get3A_306, %get3A_307] : memref<8x2688xf32, #tpu.memory_space<vmem>>, vector<1x128xf32>
    %max3A_309 = vector.broadcast %get3A_308 : vector<1x128xf32> to vector<512x128xf32>
    %max3A_310 = arith.maximumf %add3A_305, %max3A_309 : vector<512x128xf32>
    %slice3A_311 = vector.extract_strided_slice %max3A_310 {offsets = [1, 0], sizes = [511, 128], strides = [1, 1]} : vector<512x128xf32> to vector<511x128xf32>
    %broadcast_in_dim3A_312 = arith.constant 0xFF800000 : f32
    %broadcast_in_dim3A_313 = vector.broadcast %broadcast_in_dim3A_312 : f32 to vector<1x128xf32>
    %concatenate3A_314 = tpu.concatenate %slice3A_311, %broadcast_in_dim3A_313 in 0 : vector<511x128xf32>, vector<1x128xf32> -> vector<512x128xf32>
    %add3A_315 = arith.addf %max3A_299, %concatenate3A_314 : vector<512x128xf32>
    %slice3A_316 = vector.extract_strided_slice %dot_general3A_288 {offsets = [0, 256], sizes = [512, 128], strides = [1, 1]} : vector<512x768xf32> to vector<512x128xf32>
    %get3A_317 = arith.constant 1 : index
    %get3A_318 = arith.constant 2176 : index
    %get3A_319 = vector.load %arg4[%get3A_317, %get3A_318] : memref<8x2688xf32, #tpu.memory_space<vmem>>, vector<1x128xf32>
    %add3A_320 = vector.broadcast %get3A_319 : vector<1x128xf32> to vector<512x128xf32>
    %add3A_321 = arith.addf %slice3A_316, %add3A_320 : vector<512x128xf32>
    %get3A_322 = arith.constant 0 : index
    %get3A_323 = arith.constant 2176 : index
    %get3A_324 = vector.load %arg4[%get3A_322, %get3A_323] : memref<8x2688xf32, #tpu.memory_space<vmem>>, vector<1x128xf32>
    %max3A_325 = vector.broadcast %get3A_324 : vector<1x128xf32> to vector<512x128xf32>
    %max3A_326 = arith.maximumf %add3A_321, %max3A_325 : vector<512x128xf32>
    %slice3A_327 = vector.extract_strided_slice %max3A_326 {offsets = [2, 0], sizes = [510, 128], strides = [1, 1]} : vector<512x128xf32> to vector<510x128xf32>
    %broadcast_in_dim3A_328 = arith.constant 0xFF800000 : f32
    %broadcast_in_dim3A_329 = vector.broadcast %broadcast_in_dim3A_328 : f32 to vector<2x128xf32>
    %concatenate3A_330 = tpu.concatenate %slice3A_327, %broadcast_in_dim3A_329 in 0 : vector<510x128xf32>, vector<2x128xf32> -> vector<512x128xf32>
    %add3A_331 = arith.addf %add3A_315, %concatenate3A_330 : vector<512x128xf32>
    %slice3A_332 = vector.extract_strided_slice %dot_general3A_288 {offsets = [0, 384], sizes = [512, 128], strides = [1, 1]} : vector<512x768xf32> to vector<512x128xf32>
    %get3A_333 = arith.constant 1 : index
    %get3A_334 = arith.constant 2304 : index
    %get3A_335 = vector.load %arg4[%get3A_333, %get3A_334] : memref<8x2688xf32, #tpu.memory_space<vmem>>, vector<1x128xf32>
    %add3A_336 = vector.broadcast %get3A_335 : vector<1x128xf32> to vector<512x128xf32>
    %add3A_337 = arith.addf %slice3A_332, %add3A_336 : vector<512x128xf32>
    %get3A_338 = arith.constant 0 : index
    %get3A_339 = arith.constant 2304 : index
    %get3A_340 = vector.load %arg4[%get3A_338, %get3A_339] : memref<8x2688xf32, #tpu.memory_space<vmem>>, vector<1x128xf32>
    %max3A_341 = vector.broadcast %get3A_340 : vector<1x128xf32> to vector<512x128xf32>
    %max3A_342 = arith.maximumf %add3A_337, %max3A_341 : vector<512x128xf32>
    %slice3A_343 = vector.extract_strided_slice %max3A_342 {offsets = [3, 0], sizes = [509, 128], strides = [1, 1]} : vector<512x128xf32> to vector<509x128xf32>
    %broadcast_in_dim3A_344 = arith.constant 0xFF800000 : f32
    %broadcast_in_dim3A_345 = vector.broadcast %broadcast_in_dim3A_344 : f32 to vector<3x128xf32>
    %concatenate3A_346 = tpu.concatenate %slice3A_343, %broadcast_in_dim3A_345 in 0 : vector<509x128xf32>, vector<3x128xf32> -> vector<512x128xf32>
    %add3A_347 = arith.addf %add3A_331, %concatenate3A_346 : vector<512x128xf32>
    %slice3A_348 = vector.extract_strided_slice %dot_general3A_288 {offsets = [0, 512], sizes = [512, 128], strides = [1, 1]} : vector<512x768xf32> to vector<512x128xf32>
    %get3A_349 = arith.constant 1 : index
    %get3A_350 = arith.constant 2432 : index
    %get3A_351 = vector.load %arg4[%get3A_349, %get3A_350] : memref<8x2688xf32, #tpu.memory_space<vmem>>, vector<1x128xf32>
    %add3A_352 = vector.broadcast %get3A_351 : vector<1x128xf32> to vector<512x128xf32>
    %add3A_353 = arith.addf %slice3A_348, %add3A_352 : vector<512x128xf32>
    %get3A_354 = arith.constant 0 : index
    %get3A_355 = arith.constant 2432 : index
    %get3A_356 = vector.load %arg4[%get3A_354, %get3A_355] : memref<8x2688xf32, #tpu.memory_space<vmem>>, vector<1x128xf32>
    %max3A_357 = vector.broadcast %get3A_356 : vector<1x128xf32> to vector<512x128xf32>
    %max3A_358 = arith.maximumf %add3A_353, %max3A_357 : vector<512x128xf32>
    %slice3A_359 = vector.extract_strided_slice %max3A_358 {offsets = [4, 0], sizes = [508, 128], strides = [1, 1]} : vector<512x128xf32> to vector<508x128xf32>
    %broadcast_in_dim3A_360 = arith.constant 0xFF800000 : f32
    %broadcast_in_dim3A_361 = vector.broadcast %broadcast_in_dim3A_360 : f32 to vector<4x128xf32>
    %concatenate3A_362 = tpu.concatenate %slice3A_359, %broadcast_in_dim3A_361 in 0 : vector<508x128xf32>, vector<4x128xf32> -> vector<512x128xf32>
    %add3A_363 = arith.addf %add3A_347, %concatenate3A_362 : vector<512x128xf32>
    %slice3A_364 = vector.extract_strided_slice %dot_general3A_288 {offsets = [0, 640], sizes = [512, 128], strides = [1, 1]} : vector<512x768xf32> to vector<512x128xf32>
    %get3A_365 = arith.constant 1 : index
    %get3A_366 = arith.constant 2560 : index
    %get3A_367 = vector.load %arg4[%get3A_365, %get3A_366] : memref<8x2688xf32, #tpu.memory_space<vmem>>, vector<1x128xf32>
    %add3A_368 = vector.broadcast %get3A_367 : vector<1x128xf32> to vector<512x128xf32>
    %add3A_369 = arith.addf %slice3A_364, %add3A_368 : vector<512x128xf32>
    %get3A_370 = arith.constant 0 : index
    %get3A_371 = arith.constant 2560 : index
    %get3A_372 = vector.load %arg4[%get3A_370, %get3A_371] : memref<8x2688xf32, #tpu.memory_space<vmem>>, vector<1x128xf32>
    %max3A_373 = vector.broadcast %get3A_372 : vector<1x128xf32> to vector<512x128xf32>
    %max3A_374 = arith.maximumf %add3A_369, %max3A_373 : vector<512x128xf32>
    %slice3A_375 = vector.extract_strided_slice %max3A_374 {offsets = [5, 0], sizes = [507, 128], strides = [1, 1]} : vector<512x128xf32> to vector<507x128xf32>
    %broadcast_in_dim3A_376 = arith.constant 0xFF800000 : f32
    %broadcast_in_dim3A_377 = vector.broadcast %broadcast_in_dim3A_376 : f32 to vector<5x128xf32>
    %concatenate3A_378 = tpu.concatenate %slice3A_375, %broadcast_in_dim3A_377 in 0 : vector<507x128xf32>, vector<5x128xf32> -> vector<512x128xf32>
    %add3A_379 = arith.addf %add3A_363, %concatenate3A_378 : vector<512x128xf32>
    %sub3A_380 = arith.constant 6 : i32
    %sub3A_381 = arith.subi %get3A_5, %sub3A_380 : i32
    %le3A_382 = vector.broadcast %sub3A_381 : i32 to vector<512x128xi32>
    %le3A_383 = arith.cmpi sle, %iota3A, %le3A_382 : vector<512x128xi32>
    %jit3A_384 = arith.constant 0xFF800000 : f32
    %broadcast_in_dim3A_385 = vector.broadcast %jit3A_384 : f32 to vector<512x128xf32>
    %select_n3A_386 = arith.select %le3A_383, %add3A_379, %broadcast_in_dim3A_385 : vector<512x128xi1>, vector<512x128xf32>
    %reduce_max3A_387 = arith.constant dense<0xFF800000> : vector<128xf32>
    %reduce_max3A_388 = vector.multi_reduction <maximumf>, %select_n3A_386, %reduce_max3A_387 [0] : vector<512x128xf32> to vector<128xf32>
    %broadcast_in_dim3A_389 = vector.shape_cast %reduce_max3A_388 : vector<128xf32> to vector<1x128xf32>
    %concatenate3A_390 = tpu.concatenate %broadcast_in_dim3A_21, %broadcast_in_dim3A_61, %broadcast_in_dim3A_119, %broadcast_in_dim3A_193, %broadcast_in_dim3A_283, %broadcast_in_dim3A_389 in 1 : vector<1x128xf32>, vector<1x128xf32>, vector<1x128xf32>, vector<1x128xf32>, vector<1x128xf32>, vector<1x128xf32> -> vector<1x768xf32>
    %eq3A = arith.constant 0xFF800000 : f32
    %eq3A_391 = vector.broadcast %eq3A : f32 to vector<1x768xf32>
    %eq3A_392 = arith.cmpf oeq, %concatenate3A_390, %eq3A_391 : vector<1x768xf32>
    %jit3A_393 = arith.constant 0x7F800000 : f32
    %broadcast_in_dim3A_394 = vector.broadcast %jit3A_393 : f32 to vector<1x768xf32>
    %select_n3A_395 = arith.select %eq3A_392, %broadcast_in_dim3A_394, %concatenate3A_390 : vector<1x768xi1>, vector<1x768xf32>
    %reduce_min3A = vector.shape_cast %select_n3A_395 : vector<1x768xf32> to vector<1x1x768xf32>
    %reduce_min3A_396 = arith.constant dense<0x7F800000> : vector<1xf32>
    %reduce_min3A_397 = vector.multi_reduction <minimumf>, %reduce_min3A, %reduce_min3A_396 [1, 2] : vector<1x1x768xf32> to vector<1xf32>
    %reduce_min3A_398 = vector.shape_cast %reduce_min3A_397 : vector<1xf32> to vector<1x1x1xf32>
    %reduce_min3A_399 = vector.extract %reduce_min3A_398[0, 0, 0] : f32 from vector<1x1x1xf32>
    %broadcast_in_dim3A_400 = vector.broadcast %reduce_min3A_399 : f32 to vector<1x768xf32>
    %select_n3A_401 = arith.select %eq3A_392, %broadcast_in_dim3A_400, %select_n3A_395 : vector<1x768xi1>, vector<1x768xf32>
    %reduce_sum3A = vector.shape_cast %select_n3A_401 : vector<1x768xf32> to vector<1x1x768xf32>
    %reduce_sum3A_402 = arith.constant dense<0.000000e+00> : vector<1xf32>
    %reduce_sum3A_403 = vector.multi_reduction <add>, %reduce_sum3A, %reduce_sum3A_402 [1, 2] : vector<1x1x768xf32> to vector<1xf32>
    %reduce_sum3A_404 = vector.shape_cast %reduce_sum3A_403 : vector<1xf32> to vector<1x1x1xf32>
    %reduce_sum3A_405 = vector.extract %reduce_sum3A_404[0, 0, 0] : f32 from vector<1x1x1xf32>
    %div3A = arith.constant 7.680000e+02 : f32
    %div3A_406 = arith.divf %reduce_sum3A_405, %div3A : f32
    %sub3A_407 = vector.broadcast %div3A_406 : f32 to vector<1x768xf32>
    %sub3A_408 = arith.subf %select_n3A_401, %sub3A_407 : vector<1x768xf32>
    %sub3A_409 = vector.broadcast %div3A_406 : f32 to vector<1x768xf32>
    %sub3A_410 = arith.subf %select_n3A_401, %sub3A_409 : vector<1x768xf32>
    %mul3A = arith.mulf %sub3A_408, %sub3A_410 : vector<1x768xf32>
    %reduce_sum3A_411 = vector.shape_cast %mul3A : vector<1x768xf32> to vector<1x1x768xf32>
    %reduce_sum3A_412 = arith.constant dense<0.000000e+00> : vector<1xf32>
    %reduce_sum3A_413 = vector.multi_reduction <add>, %reduce_sum3A_411, %reduce_sum3A_412 [1, 2] : vector<1x1x768xf32> to vector<1xf32>
    %reduce_sum3A_414 = vector.shape_cast %reduce_sum3A_413 : vector<1xf32> to vector<1x1x1xf32>
    %reduce_sum3A_415 = vector.extract %reduce_sum3A_414[0, 0, 0] : f32 from vector<1x1x1xf32>
    %div3A_416 = arith.constant 7.680000e+02 : f32
    %div3A_417 = arith.divf %reduce_sum3A_415, %div3A_416 : f32
    %sub3A_418 = vector.broadcast %div3A_406 : f32 to vector<1x768xf32>
    %sub3A_419 = arith.subf %select_n3A_401, %sub3A_418 : vector<1x768xf32>
    %add3A_420 = arith.constant 9.99999974E-6 : f32
    %add3A_421 = arith.addf %div3A_417, %add3A_420 : f32
    %sqrt3A = math.sqrt %add3A_421 : f32
    %div3A_422 = vector.broadcast %sqrt3A : f32 to vector<1x768xf32>
    %div3A_423 = arith.divf %sub3A_419, %div3A_422 : vector<1x768xf32>
    %gt3A = arith.constant 0.000000e+00 : f32
    %gt3A_424 = vector.broadcast %gt3A : f32 to vector<1x768xf32>
    %gt3A_425 = arith.cmpf ogt, %div3A_423, %gt3A_424 : vector<1x768xf32>
    %convert_element_type3A = arith.extui %gt3A_425 : vector<1x768xi1> to vector<1x768xi32>
    %convert_element_type3A_426 = arith.sitofp %convert_element_type3A : vector<1x768xi32> to vector<1x768xf32>
    %get3A_427 = arith.constant 0 : index
    %get3A_428 = arith.constant 0 : index
    %get3A_429 = vector.load %arg5[%get3A_427, %get3A_428] : memref<768x128xf32, #tpu.memory_space<vmem>>, vector<768x128xf32>
    %dot_general3A_430 = arith.constant dense<0.000000e+00> : vector<1x128xf32>
    %dot_general3A_431 = tpu.matmul %convert_element_type3A_426, %get3A_429, %dot_general3A_430 {dimension_numbers = #tpu.dot_dimension_numbers<[1], [0], [0], [1], [0, 0, 1, 1], [], []>, transpose_lhs_hint = false} : vector<1x768xf32>, vector<768x128xf32>, vector<1x128xf32> -> vector<1x128xf32>
    %get3A_432 = arith.constant 0 : index
    %get3A_433 = arith.constant 0 : index
    %get3A_434 = vector.load %arg6[%get3A_432, %get3A_433] : memref<8x128xf32, #tpu.memory_space<vmem>>, vector<1x128xf32>
    %add3A_435 = arith.addf %dot_general3A_431, %get3A_434 : vector<1x128xf32>
    %broadcast_in_dim3A_436 = vector.shape_cast %add3A_435 : vector<1x128xf32> to vector<1x128xf32>
    %broadcast_in_dim3A_437 = vector.broadcast %broadcast_in_dim3A_436 : vector<1x128xf32> to vector<8x128xf32>
    %broadcast_in_dim3A_438 = vector.shape_cast %broadcast_in_dim3A_437 : vector<8x128xf32> to vector<1x8x128xf32>
    %swap3A = arith.constant 0 : index
    %swap3A_439 = arith.constant 0 : index
    %swap3A_440 = arith.constant 0 : index
    %swap3A_441 = vector.load %arg7[%swap3A, %swap3A_439, %swap3A_440] : memref<1x8x128xf32, #tpu.memory_space<vmem>>, vector<1x8x128xf32>
    tpu.vector_store %arg7[%swap3A, %swap3A_439, %swap3A_440], %broadcast_in_dim3A_438 {strides = array<i32>} : memref<1x8x128xf32, #tpu.memory_space<vmem>>, vector<1x8x128xf32>,
    return
  }
  func.func @transform_0(%arg0: i32, %arg1: memref<16xi32, #tpu.memory_space<smem>>) -> (i32, i32, i32) {
    %c0_i32 = arith.constant 0 : i32
    %c0_i32_0 = arith.constant 0 : i32
    %c0_i32_1 = arith.constant 0 : i32
    return %arg0, %c0_i32, %c0_i32_0 : i32, i32, i32
  }
  func.func @transform_1(%arg0: i32, %arg1: memref<16xi32, #tpu.memory_space<smem>>) -> (i32, i32) {
    %c0_i32 = arith.constant 0 : i32
    %c0_i32_0 = arith.constant 0 : i32
    %c0_i32_1 = arith.constant 0 : i32
    return %c0_i32, %c0_i32_0 : i32, i32
  }
  func.func @transform_2(%arg0: i32, %arg1: memref<16xi32, #tpu.memory_space<smem>>) -> (i32, i32) {
    %c0_i32 = arith.constant 0 : i32
    %c0_i32_0 = arith.constant 0 : i32
    %c0_i32_1 = arith.constant 0 : i32
    return %c0_i32, %c0_i32_0 : i32, i32
  }
  func.func @transform_3(%arg0: i32, %arg1: memref<16xi32, #tpu.memory_space<smem>>) -> (i32, i32) {
    %c0_i32 = arith.constant 0 : i32
    %c0_i32_0 = arith.constant 0 : i32
    %c0_i32_1 = arith.constant 0 : i32
    return %c0_i32, %c0_i32_0 : i32, i32
  }
  func.func @transform_4(%arg0: i32, %arg1: memref<16xi32, #tpu.memory_space<smem>>) -> (i32, i32) {
    %c0_i32 = arith.constant 0 : i32
    %c0_i32_0 = arith.constant 0 : i32
    %c0_i32_1 = arith.constant 0 : i32
    return %c0_i32, %c0_i32_0 : i32, i32
  }
  func.func @transform_5(%arg0: i32, %arg1: memref<16xi32, #tpu.memory_space<smem>>) -> (i32, i32, i32) {
    %c0_i32 = arith.constant 0 : i32
    %c0_i32_0 = arith.constant 0 : i32
    %c0_i32_1 = arith.constant 0 : i32
    return %arg0, %c0_i32, %c0_i32_0 : i32, i32, i32
  }
}

</mosaic_0001>

<sc_bundles>
// kernel: kernel.5.cloned.1.call-start
scs
__scs_entry_jumppad:
0x0: {  	(pc) =	sbr.rel $0x88, $3  }
0x1: {  	(tag) =	ssettag $0x0;
	lr =	simm.s32 $0x1  }
0x2: {  	[smem:$0x3F99] =	sst lr;
	_ =	strace $0xD0000000  }
0x3: {  	_ = 	snop  }
0x4: {  	_ = 	snop  }
0x5: {  	_ = 	snop  }
0x6: {  	_ = 	snop  }
0x7: {  	_ = 	snop  }
__scs_overlays_trampoline_lowered:
0x8: {  	[smem:$0x3FA8] =	sst s0  }
0x9: {  	[smem:$0x3FA9] =	sst s1  }
0xa: {  	[smem:$0x3FAA] =	sst s2  }
0xb: {  	[smem:$0x3FAB] =	sst s3  }
0xc: {  	[smem:$0x3FAC] =	sst s4  }
0xd: {  	[smem:$0x3FAD] =	sst s5  }
0xe: {  	[smem:$0x3FAE] =	sst s6  }
0xf: {  	[smem:$0x3FAF] =	sst s7  }
0x10: {  	[smem:$0x3FB0] =	sst s8  }
0x11: {  	[smem:$0x3FB1] =	sst s9;
	s0 =	simm.s32 @!p0 $0x0  }
0x12: {  	s1 =	sld [smem:$0x3F97];
	s0 =	simm.s32 @p0 $0x1  }
0x13: {  	[smem:$0x3FB2] =	sst s0;
	s0 =	simm.s32 @!p1 $0x0  }
0x14: {  	s2 =	sld [smem:$0x3F96];
	s0 =	simm.s32 @p1 $0x1  }
0x15: {  	[smem:$0x3FB3] =	sst s0;
	s0 =	simm.s32 @!p2 $0x0  }
0x16: {  	s3 =	sld [smem:$0x3FDB];
	s0 =	simm.s32 @p2 $0x1  }
0x17: {  	s4 =	simm.s32 $0x1BF5;
	[smem:$0x3FB5] =	sst s0  }
0x18: {  	s0 =	sld [smem:$0x3F98];
	_ =	swait.ge [sflag:s4], $0x0  }
0x19: {  	s7 =	sld [smem:$0x3F99]  }
0x1a: {  	s8 =	sadd.s32 $0xFFFFE003, lr  }
0x1b: {  	s9 =	sadd.s32 $0xFFFFFEF7, lr;
	s5 =	simm.s32 $0xFFFFFFFF;
	p2 =	slt.u32 s8, $0xFFFFF086  }
0x1c: {  	p1 =	slt.u32 s9, $0xF7A;
	s5 =	simm.s32 @!p2 $0x0  }
0x1d: {  	s5 =	simm.s32 @p1 $0x1;
	p0 =	seq.s32 s7, s2  }
0x1e: {  	s7 =	smul.u32 @!p0 $0xF7A, s2;
	p2 =	seq.s32 @!p0 s5, $0x0  }
0x1f: {  	s9 =	smul.u32 $0xF7A, s1;
	s8 =	simm.s32 @!p0 $0x1BF5;
	p2 =	por !p2, p0  }
0x20: {  	[sflag:s8] =	ssyncset.s32 @!p0 $0xFFFFF086;
	s6 =	sadd.s32 @!p0 s3, s7;
	s7 =	simm.s32 @!p0 $0x108  }
0x21: {  	s3 =	sadd.s32 s3, s9;
	s6 =	sadd.s32 @!p0 $0x88, s6;
	s7 =	simm.s32 @p2 $0x1082  }
0x22: {  	[simem:s7], [sflag:s8] =	dma.local @!p0 [hbm:s6], $0xF7A  }
0x23: {  	s9 =	sor.u32 $0xD0000000, s2;
	s6 =	simm.s32 $0x108;
	_ =	swait.ge @!p0 [sflag:s8], $0x0  }
0x24: {  	s3 =	sadd.s32 $0x88, s3;
	s6 =	simm.s32 @!p1 $0x1082;
	[sflag:s4] =	ssyncset.s32 $0xFFFFF086  }
0x25: {  	[simem:s6], [sflag:s4] =	dma.local [hbm:s3], $0xF7A  }
0x26: {  	[smem:$0x3F99] =	sst s1;
	(tag) =	ssettag s2;
	_ =	strace s9  }
0x27: {  	s1 =	sld [smem:$0x3FA9]  }
0x28: {  	s2 =	sld [smem:$0x3FAA]  }
0x29: {  	s4 =	sld [smem:$0x3FAC]  }
0x2a: {  	p0 =	seq.s32 s5, $0x0;
	s5 =	sld [smem:$0x3FAD]  }
0x2b: {  	s6 =	sld [smem:$0x3FAE]  }
0x2c: {  	s7 =	sld [smem:$0x3FAF]  }
0x2d: {  	s3 =	simm.s32 $0x108;
	s8 =	sld [smem:$0x3FB0]  }
0x2e: {  	s3 =	simm.s32 @!p0 $0x1082;
	s9 =	sld [smem:$0x3FB1]  }
0x2f: {  	lr =	sadd.s32 s0, s3;
	s0 =	sld [smem:$0x3FA8]  }
0x30: {  	s3 =	sld [smem:$0x3FAB]  }
0x31: {  	[smem:$0x3FB4] =	sst s10  }
0x32: {  	s10 =	sld [smem:$0x3FB2];
	_ =	sdelay $0x3  }
0x33: {  	p0 =	seq.s32 s10, $0x1;
	s10 =	sld [smem:$0x3FB4];
	_ =	sdelay $0x3  }
0x34: {  	[smem:$0x3FB4] =	sst s10  }
0x35: {  	s10 =	sld [smem:$0x3FB3];
	_ =	sdelay $0x3  }
0x36: {  	p1 =	seq.s32 s10, $0x1;
	s10 =	sld [smem:$0x3FB4];
	_ =	sdelay $0x3  }
0x37: {  	[smem:$0x3FB4] =	sst s10  }
0x38: {  	s10 =	sld [smem:$0x3FB5]  }
0x39: {  	_ = 	snop;
	(pc) =	sbr.ind lr, $3  }
0x3a: {  	_ = 	snop  }
0x3b: {  	_ = 	snop  }
0x3c: {  	p2 =	seq.s32 s10, $0x1;
	s10 =	sld [smem:$0x3FB4]  }
0x3d: {  	_ =	shalt  }
0x3e: {  	_ =	shalt  }
0x3f: {  	_ =	shalt  }
0x40: {  	_ =	shalt  }
0x41: {  	_ =	shalt  }
0x42: {  	_ =	shalt  }
0x43: {  	_ =	shalt  }
0x44: {  	_ =	shalt  }
0x45: {  	_ =	shalt  }
0x46: {  	_ =	shalt  }
0x47: {  	_ =	shalt  }
0x48: {  	_ =	shalt  }
0x49: {  	_ =	shalt  }
0x4a: {  	_ =	shalt  }
0x4b: {  	_ =	shalt  }
0x4c: {  	_ =	shalt  }
0x4d: {  	_ =	shalt  }
0x4e: {  	_ =	shalt  }
0x4f: {  	_ =	shalt  }
0x50: {  	_ =	shalt  }
0x51: {  	_ =	shalt  }
0x52: {  	_ =	shalt  }
0x53: {  	_ =	shalt  }
0x54: {  	_ =	shalt  }
0x55: {  	_ =	shalt  }
0x56: {  	_ =	shalt  }
0x57: {  	_ =	shalt  }
0x58: {  	_ =	shalt  }
0x59: {  	_ =	shalt  }
0x5a: {  	_ =	shalt  }
0x5b: {  	_ =	shalt  }
0x5c: {  	_ =	shalt  }
0x5d: {  	_ =	shalt  }
0x5e: {  	_ =	shalt  }
0x5f: {  	_ =	shalt  }
0x60: {  	_ =	shalt  }
0x61: {  	_ =	shalt  }
0x62: {  	_ =	shalt  }
0x63: {  	_ =	shalt  }
0x64: {  	_ =	shalt  }
0x65: {  	_ =	shalt  }
0x66: {  	_ =	shalt  }
0x67: {  	_ =	shalt  }
0x68: {  	_ =	shalt  }
0x69: {  	_ =	shalt  }
0x6a: {  	_ =	shalt  }
0x6b: {  	_ =	shalt  }
0x6c: {  	_ =	shalt  }
0x6d: {  	_ =	shalt  }
0x6e: {  	_ =	shalt  }
0x6f: {  	_ =	shalt  }
0x70: {  	_ =	shalt  }
0x71: {  	_ =	shalt  }
0x72: {  	_ =	shalt  }
0x73: {  	_ =	shalt  }
0x74: {  	_ =	shalt  }
0x75: {  	_ =	shalt  }
0x76: {  	_ =	shalt  }
0x77: {  	_ =	shalt  }
0x78: {  	_ =	shalt  }
0x79: {  	_ =	shalt  }
0x7a: {  	_ =	shalt  }
0x7b: {  	_ =	shalt  }
0x7c: {  	_ =	shalt  }
0x7d: {  	_ =	shalt  }
0x7e: {  	_ =	shalt  }
0x7f: {  	_ =	shalt  }
0x80: {  	_ =	shalt  }
0x81: {  	_ =	shalt  }
0x82: {  	_ =	shalt  }
0x83: {  	_ =	shalt  }
0x84: {  	_ =	shalt  }
0x85: {  	_ =	shalt  }
0x86: {  	_ =	shalt  }
0x87: {  	_ =	shalt  }
.Lfunc_end0:
.L_simem_size_0:
called_computation_lowered:
.L_overlay_start_0:
0x88: {  	s2 =	sld [smem:$0x3FD9]  }
0x89: {  	s3 =	sld [smem:$0x3FFE];
	_ =	sdelay $0x1  }
0x8a: {  	s1 =	srdreg.scid  }
0x8b: {  	s0 =	sand.u32 $0x1, s1  }
0x8c: {  	s16 =	sshll.u32 s0, $0xA;
	s2 =	sadd.s32 s3, s2  }
0x8d: {  	s2 =	sadd.s32 s2, s16  }
0x8e: {  	[smem:$0x3FC0] =	sst s2  }
0x8f: {  	_ = 	snop  }
0x90: {  	(tm) =	ssettm $0x1  }
0x91: {  	s17 =	sld [smem:$0x3FFB];
	_ =	sdelay $0x3  }
0x92: {  	_ =	strace s17  }
0x93: {  	s2 =	sld [smem:$0x3FFC];
	_ =	sdelay $0x3  }
0x94: {  	_ =	strace s2  }
0x95: {  	s2 =	sld [smem:$0x3FFD];
	_ =	sdelay $0x3  }
0x96: {  	_ =	strace s2  }
0x97: {  	_ =	strace $0x8FFFFFFF  }
0x98: {  	s18 =	sld [smem:$0x3FDB];
	_ =	sdelay $0x1  }
0x99: {  	s19 =	simm.s32 $_scs_section_size  }
0x9a: {  	s4 =	simm.s32 $_size__tile_overlayer_lowered;
	s5 =	simm.s32 $_tile_overlayer_lowered  }
0x9b: {  	s22 =	simm.s32 $0x1BFF;
	s21 =	sshll.u32 s5, $0x1;
	s2 =	sadd.s32 s19, s18  }
0x9c: {  	s6 =	simm.s32 $0x0;
	s20 =	sshll.u32 s4, $0x1;
	s4 =	sadd.s32 s21, s2  }
0x9d: {  	[timem:s6], [sflag:s22] =	dma.local [hbm:s4], s20  }
0x9e: {  	_ =	swait.ge [sflag:s22], s20  }
0x9f: {  	s3 =	ssub.s32 $0x0, s20;
	[sflag:s22] =	ssyncset.done $0x0  }
0xa0: {  	[sflag:s22] =	ssyncadd.s32 s3;
	_ =	sdelay $0x1  }
0xa1: {  	s23 =	simm.s32 $0x1B8B  }
0xa2: {  	_ =	swait.ge [sflag:s23], $0x1  }
0xa3: {  	[sflag:s23] =	ssyncset.done $0x0  }
0xa4: {  	s25 =	simm.s32 $0x1B8E;
	s24 =	sld [smem:$0x3FFE];
	[sflag:s23] =	ssyncadd.s32 $0xFFFFFFFF  }
0xa5: {  	s26 =	simm.s32 $execute0_lowered;
	[smem:$0x3FD2] =	sst s25  }
0xa6: {  	s4 =	sshll.u32 s26, $0x1;
	_ =	strace $0x80000046;
	[dreg:$0x1] =	wrdreg $0xFFFFFFFF  }
0xa7: {  	s28 =	simm.s32 $_size_execute0_lowered;
	s2 =	sadd.s32 s2, s4;
	[dreg:$0x0] =	wrdreg $0x0  }
0xa8: {  	s4 =	sshll.u32 s28, $0x1;
	[dreg:$0x2] =	wrdreg s2  }
0xa9: {  	[dreg:$0x3] =	wrdreg s4  }
0xaa: {  	[dreg:$0x4] =	wrdreg $0xC0  }
0xab: {  	_ =	task [dreg:s6], $0x5FFFF  }
0xac: {  	[dreg:$0x1] =	wrdreg $0xFFFFFFFF  }
0xad: {  	[dreg:$0x0] =	wrdreg $0x60  }
0xae: {  	[dreg:$0x2] =	wrdreg s24  }
0xaf: {  	[dreg:$0x3] =	wrdreg $0x9  }
0xb0: {  	_ =	task.clear_ibuf [dreg:s6], $0x4FFFF;
	_ =	strace $0x90000046  }
0xb1: {  	s29 =	simm.s32 $0x9;
	_ =	strace $0x80000048  }
0xb2: {  	_ =	swait.ge [sflag:s29], $0x1  }
0xb3: {  	[sflag:s29] =	ssyncadd.s32 $0xFFFFFFFF  }
0xb4: {  	_ =	strace $0x90000048  }
0xb5: {  	_ =	sfence  }
0xb6: {  	s30 =	sld [smem:$0x0];
	_ =	sdelay $0x2  }
0xb7: {  	s31 =	sshll.u32 s1, $0xD;
	s1 =	sshrl.u32 s1, $0x2  }
0xb8: {  	s3 =	sand.u32 $0x4000, s31;
	s1 =	sadd.s32 s1, s30  }
0xb9: {  	s0 =	sor.u32 s3, s0;
	s1 =	sshll.u32 s1, $0x11  }
0xba: {  	s0 =	sor.u32 s1, s0  }
0xbb: {  	s0 =	sadd.s32 $0x8F2B, s0  }
0xbc: {  	[sflag:s0] =	ssyncadd.remote.s32 $0x1  }
0xbd: {  	_ =	sfence.sel $0xFFFF  }
0xbe: {  	[dreg:$0x0] =	wrdreg $0xFFFFFFFF;
	(pc) =	sbr.abs _section_cstart, $3  }
0xbf: {  	[dreg:$0x1] =	wrdreg $0xFFFFFFFF  }
0xc0: {  	_ =	task.clear_ibuf [dreg:s6], $0x2FFFF;
	_ =	strace $0x9FFFFFFF  }
0xc1: {  	(tm) =	ssettm $0x7FFFFFFF  }
tec
execute0_lowered:
.L_overlay_start_1:
0x0: {  	(tag) =	ssettag $0x1  }
0x1: {  	s1 =	srdreg.scid;
	s0 =	stileid.u32  }
0x2: {  	s10 =	sand.u32 $0x1, s1;
	s29 =	sshll.u32 s0, $0x1  }
0x3: {  	s2 =	rddreg [dreg:$0x0];
	s11 =	sor.u32 s10, s29  }
0x4: {  	s3 =	simm.s32 $0x0;
	s1 =	rddreg [dreg:$0x1];
	s4 =	sshll.u32 s11, $0x5  }
0x5: {  	[smem:$0x7FF] =	sst s3;
	s4 =	sadd.s32 s4, s2  }
0x6: {  	_ =	strace $0x80000047;
	s5 =	sadd.s32 $0x28000, s4;
	s4 =	simm.s32 $0x2  }
0x7: {  	[tilespmem:s3], [sflag:$0x2] =	stream.linear.gather [hbm4b:s5+s3], $0x100, $0x38;
	[tilespmem:$0xA100] =	vst v63  }
0x8: {  	_ =	swait.ge [sflag:s4], $0x100  }
0x9: {  	[sflag:s4] =	ssyncset.done $0x0  }
0xa: {  	s6 =	simm.s32 $0x80;
	s7 =	simm.s32 $0x100;
	[sflag:s4] =	ssyncadd.s32 $0xFFFFFF00  }
0xb: {  	[tilespmem:s7], [sflag:$0x1] =	stream.indirect.gather [hbm4b:s2+s6], $0xA0, s3, s6, $0xb8;
	[tilespmem:$0xA100] =	vst v63  }
0xc: {  	s8 =	simm.s32 $0x5100;
	s9 =	simm.s32 $0x1;
	s10 =	ssub.s32 $0x2, s10  }
0xd: {  	[tilespmem:s8], [sflag:$0x1] =	stream.indirect.gather [hbm4b:s2+s6], $0xA0, s6, s6, $0xb8;
	[tilespmem:$0xA100] =	vst v63  }
0xe: {  	s12 =	sshrl.u32 s10, $0x1;
	_ =	swait.ge [sflag:s9], $0x5000  }
0xf: {  	s12 =	ssub.s32 s10, s12;
	[sflag:s9] =	ssyncset.done $0x0  }
0x10: {  	s11 =	smul.u32 $0x1400, s11;
	s31 =	smax.u32 s12, $0x1;
	[sflag:s9] =	ssyncadd.s32 $0xFFFFB000  }
0x11: {  	p0 =	sne.s32 s31, $0x1;
	_ =	swait.ge [sflag:s9], $0x5000  }
.Ltmp0:
0x12: {  	s30 =	sadd.s32 s11, s2;
	[sflag:s9] =	ssyncset.done $0x0;
	(pc) =	sbr.rel @!p0 .LBB2_2-.Ltmp0, $4  }
0x13: {  	s10 =	sadd.s32 $0x28400, s30;
	[sflag:s9] =	ssyncadd.s32 $0xFFFFB000  }
0x14: {  	[hbm4b:s10+s3] =	stream.linear.scatter [tilespmem:s7], [sflag:$0x2], $0xA000, $0x38;
	[tilespmem:$0xA100] =	vst v63  }
0x15: {  	_ =	swait.ge [sflag:s4], $0xA000  }
0x16: {  	s11 =	sadd.s32 $0xFFFFFFFF, s31;
	[sflag:s4] =	ssyncset.done $0x0  }
.LBB2_1:
0x17: {  	p0 =	sne.s32 s11, $0x1;
	s11 =	sadd.s32 $0xFFFFFFFF, s11;
	[sflag:s4] =	ssyncadd.s32 $0xFFFF6000  }
0x18: {  	[tilespmem:s3], [sflag:$0x2] =	stream.linear.gather [hbm4b:s5+s3], $0x100, $0x38;
	[tilespmem:$0xA100] =	vst v63  }
0x19: {  	_ =	swait.ge [sflag:s4], $0x100  }
0x1a: {  	[sflag:s4] =	ssyncset.done $0x0  }
0x1b: {  	[sflag:s4] =	ssyncadd.s32 $0xFFFFFF00  }
0x1c: {  	[tilespmem:s7], [sflag:$0x1] =	stream.indirect.gather [hbm4b:s2+s6], $0xA0, s3, s6, $0xb8;
	[tilespmem:$0xA100] =	vst v63  }
0x1d: {  	_ = 	snop  }
0x1e: {  	[tilespmem:s8], [sflag:$0x1] =	stream.indirect.gather [hbm4b:s2+s6], $0xA0, s6, s6, $0xb8;
	[tilespmem:$0xA100] =	vst v63  }
0x1f: {  	_ =	swait.ge [sflag:s9], $0x5000  }
0x20: {  	[sflag:s9] =	ssyncset.done $0x0  }
0x21: {  	[sflag:s9] =	ssyncadd.s32 $0xFFFFB000  }
0x22: {  	_ =	swait.ge [sflag:s9], $0x5000  }
.Ltmp1:
0x23: {  	[sflag:s9] =	ssyncset.done $0x0;
	(pc) =	sbr.rel @p0 .LBB2_1-.Ltmp1, $4  }
0x24: {  	[sflag:s9] =	ssyncadd.s32 $0xFFFFB000  }
0x25: {  	[hbm4b:s10+s3] =	stream.linear.scatter [tilespmem:s7], [sflag:$0x2], $0xA000, $0x38;
	[tilespmem:$0xA100] =	vst v63  }
0x26: {  	_ =	swait.ge [sflag:s4], $0xA000  }
0x27: {  	[sflag:s4] =	ssyncset.done $0x0  }
.LBB2_2:
0x28: {  	[sflag:s4] =	ssyncadd.s32 $0xFFFF6000  }
0x29: {  	_ =	sfence.sel $0x180000  }
0x2a: {  	[bflag:$0x0] =	sbarrier.arrive $0xFFFF  }
0x2b: {  	p0 =	sne.s32 s0, $0x0;
	_ =	strace $0x90000047  }
0x2c: {  	s0 =	sadd.s32 @!p0 $0x100000, s1;
	[bflag:$0x2] =	sbarrier.arrive $0xFFFF  }
0x2d: {  	[sflag:s0] =	ssyncadd.tile.s32 @!p0 $0x1;
	_ =	shalt  }
.Lfunc_end2:
_tile_overlayer_lowered:
.L_overlay_start_2:
0x2e: {  	(tag) =	ssettag $0x2  }
0x2f: {  	s0 =	rddreg [dreg:$0x0];
	s2 =	stileid.u32  }
0x30: {  	s1 =	rddreg [dreg:$0x1];
	p0 =	sne.s32 s2, $0x0  }
0x31: {  	s3 =	rddreg [dreg:$0x2];
	[bflag:$0x3] =	sbarrier.arrive $0xFFFF;
	s2 =	simm.s32 @!p0 $0x1C02  }
0x32: {  	[timem:s3], [sflag:s2] =	dma.local @!p0 [hbm:s0], s1  }
0x33: {  	s0 =	simm.s32 @!p0 $0x2  }
0x34: {  	_ =	swait.ge @!p0 [sflag:s0], s1  }
0x35: {  	s1 =	ssub.s32 @!p0 $0x0, s1;
	[sflag:s0] =	ssyncset.done @!p0 $0x0  }
0x36: {  	[sflag:s0] =	ssyncadd.s32 @!p0 s1  }
0x37: {  	[bflag:$0x3] =	sbarrier.arrive $0xFFFF  }
0x38: {  	_ =	shalt  }

</sc_bundles>
